<compile_context>
chip_gen: v7x
topology: tpu7x:2x2x1
jax: 0.10.2.dev20260603
libtpu: 0.0.44.dev20260713+nightly
codegen_flags: <defaults>
</compile_context>

<pallas_src>
import functools

import jax
import jax.numpy as jnp
from jax import lax
from jax.experimental import pallas as pl
from jax.experimental.pallas import tpu as pltpu
from jax.experimental.pallas import tpu_sc as plsc

_N = 100000
_IN_DIM = 128
_CODE_DIM = 64
_K = 1024
_COMMIT_W = 1.0

_BN = 1024
_NBLK = 98
_NW = 32
_B_PER_W = 3136
_PAD_N = _NW * _B_PER_W
_CHUNK = 112
_NCHUNK = _B_PER_W // _CHUNK
_PARTIAL = 96


def _tc_body(xo_ref, xt_ref, we_ref, be_ref, wp_ref, bp_ref, cb_ref,
             cbt_ref, wet_ref, bet_ref, idxo_ref, idxt_ref, cwb_ref,
             loss_ref, c2h_ref, iotaf_ref):
    i = pl.program_id(0)
    cbt = cbt_ref[...]

    @pl.when(i == 0)
    def _init():
        cwb_ref[...] = (
            jnp.dot(cb_ref[...], wp_ref[...], preferred_element_type=jnp.float32)
            + bp_ref[...]
        )
        loss_ref[...] = jnp.zeros_like(loss_ref)
        c2h_ref[...] = 0.5 * jnp.sum(cbt * cbt, axis=0, keepdims=True)
        iotaf_ref[...] = lax.broadcasted_iota(
            jnp.int32, (1, _K), 1).astype(jnp.float32)

    c2h = c2h_ref[...]
    y = (
        jnp.dot(xo_ref[...], we_ref[...], preferred_element_type=jnp.float32)
        + be_ref[...]
    )
    m = jnp.dot(y, cbt, preferred_element_type=jnp.float32) - c2h
    maxv = jnp.max(m, axis=1, keepdims=True)
    iota = iotaf_ref[...]
    idx = jnp.minimum(jnp.min(jnp.where(m == maxv, iota, float(_K)), axis=1),
                      float(_K - 1)).astype(jnp.int32)
    x2 = jnp.sum(y * y, axis=1, keepdims=True)

    yt = (
        jnp.dot(xt_ref[...], wet_ref[...], preferred_element_type=jnp.float32)
        + bet_ref[...]
    )
    mt = jnp.dot(yt, cbt, preferred_element_type=jnp.float32) - c2h
    maxvt = jnp.max(mt, axis=1, keepdims=True)
    idxt = jnp.minimum(jnp.min(jnp.where(mt == maxvt, iota, float(_K)), axis=1),
                       float(_K - 1)).astype(jnp.int32)

    for r in range(8):
        idxo_ref[0, r, :] = lax.slice(idx, (r * 128,), ((r + 1) * 128,))
        idxt_ref[0, r, :] = lax.slice(idxt, (r * 128,), ((r + 1) * 128,))
    valid_col = (i * _BN + lax.broadcasted_iota(jnp.int32, (_BN, 1), 0)) < _N
    loss_ref[...] = loss_ref[...] + jnp.sum(
        jnp.where(valid_col, x2 - 2.0 * maxv, 0.0))


def _tc_forward(online_x, target_x, W_enc, b_enc, W_pred, b_pred, codebook,
                cbT, W_enc_t, b_enc_t):
    full = lambda shape: pl.BlockSpec(shape, lambda i: (0,) * len(shape))
    return pl.pallas_call(
        _tc_body,
        grid=(_NBLK,),
        in_specs=[
            pl.BlockSpec((_BN, _IN_DIM), lambda i: (i, 0)),
            pl.BlockSpec((_BN, _IN_DIM), lambda i: (i, 0)),
            full((_IN_DIM, _CODE_DIM)),
            full((1, _CODE_DIM)),
            full((_CODE_DIM, _CODE_DIM)),
            full((1, _CODE_DIM)),
            full((_K, _CODE_DIM)),
            full((_CODE_DIM, _K)),
            full((_IN_DIM, _CODE_DIM)),
            full((1, _CODE_DIM)),
        ],
        out_specs=[
            pl.BlockSpec((1, 8, 128), lambda i: (i, 0, 0)),
            pl.BlockSpec((1, 8, 128), lambda i: (i, 0, 0)),
            full((_K, _CODE_DIM)),
            full((1, 1)),
        ],
        out_shape=[
            jax.ShapeDtypeStruct((_NBLK, 8, 128), jnp.int32),
            jax.ShapeDtypeStruct((_NBLK, 8, 128), jnp.int32),
            jax.ShapeDtypeStruct((_K, _CODE_DIM), jnp.float32),
            jax.ShapeDtypeStruct((1, 1), jnp.float32),
        ],
        scratch_shapes=[pltpu.VMEM((1, _K), jnp.float32),
                        pltpu.VMEM((1, _K), jnp.float32)],
        compiler_params=pltpu.CompilerParams(
            dimension_semantics=("arbitrary",),
        ),
    )(online_x, target_x, W_enc, b_enc, W_pred, b_pred, codebook, cbT,
      W_enc_t, b_enc_t)


_RING = 4


def _sc_body(cwb_hbm, cb_hbm, idxo_hbm, idxt_hbm, outq_hbm, outt_hbm,
             idxo_v, idxt_v, cwb_sp, cb_sp, *bufs_and_sems):
    bo = bufs_and_sems[0:_RING]
    bt = bufs_and_sems[_RING:2 * _RING]
    so = bufs_and_sems[2 * _RING:3 * _RING]
    st = bufs_and_sems[3 * _RING:4 * _RING]
    sid = lax.axis_index("s")
    wid = sid * 2 + lax.axis_index("c")
    base = wid * _B_PER_W
    pltpu.sync_copy(idxo_hbm.at[pl.ds(base, _B_PER_W)], idxo_v)
    pltpu.sync_copy(idxt_hbm.at[pl.ds(base, _B_PER_W)], idxt_v)

    @pl.when(sid == 0)
    def _stage_tables():
        pltpu.sync_copy(cwb_hbm, cwb_sp)
        pltpu.sync_copy(cb_hbm, cb_sp)

    plsc.subcore_barrier()

    def start(i, b):
        sl = pl.ds(i * _CHUNK, _CHUNK)
        pltpu.async_copy(cwb_sp.at[idxo_v.at[sl]], bo[b], so[b])
        pltpu.async_copy(cb_sp.at[idxt_v.at[sl]], bt[b], st[b])

    for b in range(_RING):
        start(b, b)

    def group(g, carry):
        for b in range(_RING):
            i = g * _RING + b
            pltpu.make_async_copy(cwb_hbm.at[pl.ds(0, _CHUNK)], bo[b], so[b]).wait()
            pltpu.make_async_copy(cb_hbm.at[pl.ds(0, _CHUNK)], bt[b], st[b]).wait()
            off = base + i * _CHUNK

            @pl.when(off + _CHUNK <= _N)
            def _full_writeback():
                pltpu.sync_copy(bo[b], outq_hbm.at[pl.ds(off, _CHUNK)])
                pltpu.sync_copy(bt[b], outt_hbm.at[pl.ds(off, _CHUNK)])

            @pl.when((off < _N) & (off + _CHUNK > _N))
            def _partial_writeback():
                pltpu.sync_copy(bo[b].at[pl.ds(0, _PARTIAL)],
                                outq_hbm.at[pl.ds(_N - _PARTIAL, _PARTIAL)])
                pltpu.sync_copy(bt[b].at[pl.ds(0, _PARTIAL)],
                                outt_hbm.at[pl.ds(_N - _PARTIAL, _PARTIAL)])

            @pl.when(g < (_NCHUNK // _RING) - 1)
            def _refill():
                start(i + _RING, b)

        return carry

    lax.fori_loop(0, _NCHUNK // _RING, group, 0)


def _sc_gather(cwb, codebook, idxo_p, idxt_p):
    mesh = plsc.VectorSubcoreMesh(core_axis_name="c", subcore_axis_name="s")
    scratch = (
        [pltpu.VMEM((_B_PER_W,), jnp.int32)] * 2
        + [pltpu.VMEM_SHARED((_K, _CODE_DIM), jnp.float32)] * 2
        + [pltpu.VMEM((_CHUNK, _CODE_DIM), jnp.float32)] * (2 * _RING)
        + [pltpu.SemaphoreType.DMA] * (2 * _RING)
    )
    fn = functools.partial(
        pl.kernel,
        mesh=mesh,
        out_type=[
            jax.ShapeDtypeStruct((_N, _CODE_DIM), jnp.float32),
            jax.ShapeDtypeStruct((_N, _CODE_DIM), jnp.float32),
        ],
        scratch_types=scratch,
        compiler_params=pltpu.CompilerParams(use_tc_tiling_on_sc=False),
    )(_sc_body)
    return fn(cwb, codebook, idxo_p, idxt_p)


def kernel(online_x, target_x, W_enc, b_enc, W_pred, b_pred, codebook,
           W_enc_t, b_enc_t):
    cbT = codebook.T
    idxo3, idxt3, cwb, loss = _tc_forward(
        online_x, target_x, W_enc, b_enc.reshape(1, -1), W_pred,
        b_pred.reshape(1, -1), codebook, cbT, W_enc_t, b_enc_t.reshape(1, -1))
    online_q, quantized_target = _sc_gather(
        cwb, codebook, idxo3.reshape(-1), idxt3.reshape(-1))
    commit_loss = loss[0, 0] * (_COMMIT_W / (_N * _CODE_DIM))
    return (online_q, quantized_target, commit_loss)

# --- scband reference (transcript-rebuilt; emitter-appended) ---
"""Pipeline reference for scband-bgrl-78314433675276 (READ-ONLY COPY).

The authoritative reference and input builder live on the scoring server;
editing this copy changes nothing except your own understanding.
"""

import jax, jax.numpy as jnp
import numpy as np

N = 100000
IN_DIM = 128
CODE_DIM = 64
CODEBOOK_SIZE = 1024
COMMIT_W = 1.0


def setup_inputs(seed: int = 0) -> dict:
    key = jax.random.key(seed)
    ks = jax.random.split(key, 8)
    online_x = jax.random.normal(ks[0], (N, IN_DIM), dtype=jnp.float32)
    target_x = jax.random.normal(ks[1], (N, IN_DIM), dtype=jnp.float32)
    W_enc = jax.random.normal(ks[2], (IN_DIM, CODE_DIM), dtype=jnp.float32) * 0.05
    b_enc = jnp.zeros((CODE_DIM,), dtype=jnp.float32)
    W_pred = jax.random.normal(ks[3], (CODE_DIM, CODE_DIM), dtype=jnp.float32) * 0.05
    b_pred = jnp.zeros((CODE_DIM,), dtype=jnp.float32)
    codebook = jax.random.normal(ks[4], (CODEBOOK_SIZE, CODE_DIM), dtype=jnp.float32)
    W_enc_t = jax.random.normal(ks[5], (IN_DIM, CODE_DIM), dtype=jnp.float32) * 0.05
    b_enc_t = jnp.zeros((CODE_DIM,), dtype=jnp.float32)
    return {
        "online_x": online_x,
        "target_x": target_x,
        "W_enc": W_enc,
        "b_enc": b_enc,
        "W_pred": W_pred,
        "b_pred": b_pred,
        "codebook": codebook,
        "W_enc_t": W_enc_t,
        "b_enc_t": b_enc_t,
    }


def _vq(x, codebook):
    # euclidean-distance VQ with straight-through estimator + commitment loss
    x2 = jnp.sum(x * x, axis=1, keepdims=True)
    c2 = jnp.sum(codebook * codebook, axis=1)
    dist = x2 - 2.0 * (x @ codebook.T) + c2[None, :]
    indices = jnp.argmin(dist, axis=1)
    quantize = jnp.take(codebook, indices, axis=0)
    commit_loss = COMMIT_W * jnp.mean((jax.lax.stop_gradient(quantize) - x) ** 2)
    quantize_st = x + jax.lax.stop_gradient(quantize - x)
    return quantize_st, indices, commit_loss


def reference(online_x, target_x, W_enc, b_enc, W_pred, b_pred, codebook, W_enc_t, b_enc_t):
    # online branch
    online_y = online_x @ W_enc + b_enc
    quantized_online, indices, commit_loss = _vq(online_y, codebook)
    online_q = quantized_online @ W_pred + b_pred
    # target branch (no grad)
    target_y = jax.lax.stop_gradient(target_x @ W_enc_t + b_enc_t)
    quantized_target, _, _ = _vq(target_y, codebook)
    quantized_target = jax.lax.stop_gradient(quantized_target)
    return (online_q, quantized_target, commit_loss)

if __name__ == "__main__":
    import jax
    _d = setup_inputs()
    print(jax.jit(kernel)(*tuple(_d.values())))

</pallas_src>

<mosaic_0001>
#map = affine_map<(d0, d1) -> (0, 0)>
#map1 = affine_map<(d0, d1) -> (0)>
module attributes {stable_mosaic.version = 14 : i64} {
  func.func @_sc_body(%arg0: i32, %arg1: i32, %arg2: memref<1024x64xf32, #tpu.memory_space<hbm>>, %arg3: memref<1024x64xf32, #tpu.memory_space<hbm>>, %arg4: memref<100352xi32, #tpu.memory_space<hbm>>, %arg5: memref<100352xi32, #tpu.memory_space<hbm>>, %arg6: memref<100000x64xf32, #tpu.memory_space<hbm>>, %arg7: memref<100000x64xf32, #tpu.memory_space<hbm>>, %arg8: memref<3136xi32, #tpu.memory_space<vmem>>, %arg9: memref<3136xi32, #tpu.memory_space<vmem>>, %arg10: memref<1024x64xf32, #tpu.memory_space<vmem_shared>>, %arg11: memref<1024x64xf32, #tpu.memory_space<vmem_shared>>, %arg12: memref<112x64xf32, #tpu.memory_space<vmem>>, %arg13: memref<112x64xf32, #tpu.memory_space<vmem>>, %arg14: memref<112x64xf32, #tpu.memory_space<vmem>>, %arg15: memref<112x64xf32, #tpu.memory_space<vmem>>, %arg16: memref<112x64xf32, #tpu.memory_space<vmem>>, %arg17: memref<112x64xf32, #tpu.memory_space<vmem>>, %arg18: memref<112x64xf32, #tpu.memory_space<vmem>>, %arg19: memref<112x64xf32, #tpu.memory_space<vmem>>, %arg20: memref<!tpu.dma_semaphore, #tpu.memory_space<semaphore_mem>>, %arg21: memref<!tpu.dma_semaphore, #tpu.memory_space<semaphore_mem>>, %arg22: memref<!tpu.dma_semaphore, #tpu.memory_space<semaphore_mem>>, %arg23: memref<!tpu.dma_semaphore, #tpu.memory_space<semaphore_mem>>, %arg24: memref<!tpu.dma_semaphore, #tpu.memory_space<semaphore_mem>>, %arg25: memref<!tpu.dma_semaphore, #tpu.memory_space<semaphore_mem>>, %arg26: memref<!tpu.dma_semaphore, #tpu.memory_space<semaphore_mem>>, %arg27: memref<!tpu.dma_semaphore, #tpu.memory_space<semaphore_mem>>) attributes {dimension_semantics = [#tpu.dimension_semantics<core_parallel>, #tpu.dimension_semantics<subcore_parallel>], iteration_bounds = array<i64: 2, 16>, scalar_prefetch = 0 : i64, scratch_operands = 20 : i64, tpu.core_type = #tpu.core_type<sc_vector_subcore>, window_params = [{transform_indices = #map}, {transform_indices = #map}, {transform_indices = #map1}, {transform_indices = #map1}, {transform_indices = #map}, {transform_indices = #map}]} {
    %mul3A = arith.constant 2 : i32
    %mul3A_0 = arith.muli %arg1, %mul3A : i32
    %add3A = arith.addi %mul3A_0, %arg0 : i32
    %mul3A_1 = arith.constant 3136 : i32
    %mul3A_2 = arith.muli %add3A, %mul3A_1 : i32
    "tpu.region"() ({
      %run_scoped3A = tpu.sem_alloc : memref<!tpu.dma_semaphore, #tpu.memory_space<semaphore_mem>>
      %dma_start3A_49 = tpu.memref_slice %arg4[%mul3A_2] : memref<100352xi32, #tpu.memory_space<hbm>> -> memref<3136xi32, #tpu.memory_space<hbm>>
      %dma_start3A_50 = tpu.memref_slice %arg4[%mul3A_2] : memref<100352xi32, #tpu.memory_space<hbm>> -> memref<3136xi32, #tpu.memory_space<hbm>>
      tpu.enqueue_dma source(%dma_start3A_50 : memref<3136xi32, #tpu.memory_space<hbm>>) target(%arg8 : memref<3136xi32, #tpu.memory_space<vmem>>) target_semaphore(%run_scoped3A : memref<!tpu.dma_semaphore, #tpu.memory_space<semaphore_mem>>)
      %dma_wait3A = tpu.memref_slice %arg4[%mul3A_2] : memref<100352xi32, #tpu.memory_space<hbm>> -> memref<3136xi32, #tpu.memory_space<hbm>>
      %dma_wait3A_51 = tpu.memref_slice %arg4[%mul3A_2] : memref<100352xi32, #tpu.memory_space<hbm>> -> memref<3136xi32, #tpu.memory_space<hbm>>
      tpu.wait_dma2 semaphore(%run_scoped3A : memref<!tpu.dma_semaphore, #tpu.memory_space<semaphore_mem>>) src(%dma_wait3A_51 : memref<3136xi32, #tpu.memory_space<hbm>>) dst(%arg8 : memref<3136xi32, #tpu.memory_space<vmem>>)
      tpu.yield
    }) : () -> ()
    "tpu.region"() ({
      %run_scoped3A = tpu.sem_alloc : memref<!tpu.dma_semaphore, #tpu.memory_space<semaphore_mem>>
      %dma_start3A_49 = tpu.memref_slice %arg5[%mul3A_2] : memref<100352xi32, #tpu.memory_space<hbm>> -> memref<3136xi32, #tpu.memory_space<hbm>>
      %dma_start3A_50 = tpu.memref_slice %arg5[%mul3A_2] : memref<100352xi32, #tpu.memory_space<hbm>> -> memref<3136xi32, #tpu.memory_space<hbm>>
      tpu.enqueue_dma source(%dma_start3A_50 : memref<3136xi32, #tpu.memory_space<hbm>>) target(%arg9 : memref<3136xi32, #tpu.memory_space<vmem>>) target_semaphore(%run_scoped3A : memref<!tpu.dma_semaphore, #tpu.memory_space<semaphore_mem>>)
      %dma_wait3A = tpu.memref_slice %arg5[%mul3A_2] : memref<100352xi32, #tpu.memory_space<hbm>> -> memref<3136xi32, #tpu.memory_space<hbm>>
      %dma_wait3A_51 = tpu.memref_slice %arg5[%mul3A_2] : memref<100352xi32, #tpu.memory_space<hbm>> -> memref<3136xi32, #tpu.memory_space<hbm>>
      tpu.wait_dma2 semaphore(%run_scoped3A : memref<!tpu.dma_semaphore, #tpu.memory_space<semaphore_mem>>) src(%dma_wait3A_51 : memref<3136xi32, #tpu.memory_space<hbm>>) dst(%arg9 : memref<3136xi32, #tpu.memory_space<vmem>>)
      tpu.yield
    }) : () -> ()
    %eq3A = arith.constant 0 : i32
    %eq3A_3 = arith.cmpi eq, %arg1, %eq3A : i32
    %convert_element_type3A = arith.extui %eq3A_3 : i1 to i32
    %cond3A = arith.constant 0 : i32
    %cond3A_4 = arith.cmpi ne, %convert_element_type3A, %cond3A : i32
    scf.if %cond3A_4 {
      "tpu.region"() ({
        %run_scoped3A = tpu.sem_alloc : memref<!tpu.dma_semaphore, #tpu.memory_space<semaphore_mem>>
        tpu.enqueue_dma source(%arg2 : memref<1024x64xf32, #tpu.memory_space<hbm>>) target(%arg10 : memref<1024x64xf32, #tpu.memory_space<vmem_shared>>) target_semaphore(%run_scoped3A : memref<!tpu.dma_semaphore, #tpu.memory_space<semaphore_mem>>)
        tpu.wait_dma2 semaphore(%run_scoped3A : memref<!tpu.dma_semaphore, #tpu.memory_space<semaphore_mem>>) src(%arg2 : memref<1024x64xf32, #tpu.memory_space<hbm>>) dst(%arg10 : memref<1024x64xf32, #tpu.memory_space<vmem_shared>>)
        tpu.yield
      }) : () -> ()
      "tpu.region"() ({
        %run_scoped3A = tpu.sem_alloc : memref<!tpu.dma_semaphore, #tpu.memory_space<semaphore_mem>>
        tpu.enqueue_dma source(%arg3 : memref<1024x64xf32, #tpu.memory_space<hbm>>) target(%arg11 : memref<1024x64xf32, #tpu.memory_space<vmem_shared>>) target_semaphore(%run_scoped3A : memref<!tpu.dma_semaphore, #tpu.memory_space<semaphore_mem>>)
        tpu.wait_dma2 semaphore(%run_scoped3A : memref<!tpu.dma_semaphore, #tpu.memory_space<semaphore_mem>>) src(%arg3 : memref<1024x64xf32, #tpu.memory_space<hbm>>) dst(%arg11 : memref<1024x64xf32, #tpu.memory_space<vmem_shared>>)
        tpu.yield
      }) : () -> ()
    } else {
    }
    %barrier3A = arith.constant 0 : index
    tpu.barrier barrier_id(%barrier3A)
    %dma_start3A = arith.constant 0 : i32
    %dma_start3A_5 = tpu.memref_slice %arg8[%dma_start3A] : memref<3136xi32, #tpu.memory_space<vmem>> -> memref<112xi32, #tpu.memory_space<vmem>>
    %dma_start3A_6 = arith.constant 0 : i32
    %dma_start3A_7 = arith.constant 0 : i32
    %dma_start3A_8 = tpu.memref_slice %arg10[%dma_start3A_6, %dma_start3A_7] : memref<1024x64xf32, #tpu.memory_space<vmem_shared>> -> memref<1024x64xf32, #tpu.memory_space<vmem_shared>>
    tpu.enqueue_indirect_dma source(%dma_start3A_8 : memref<1024x64xf32, #tpu.memory_space<vmem_shared>>) target(%arg12 : memref<112x64xf32, #tpu.memory_space<vmem>>) offsets(%dma_start3A_5 : memref<112xi32, #tpu.memory_space<vmem>>) semaphore(%arg20 : memref<!tpu.dma_semaphore, #tpu.memory_space<semaphore_mem>>)
    %dma_start3A_9 = arith.constant 0 : i32
    %dma_start3A_10 = tpu.memref_slice %arg9[%dma_start3A_9] : memref<3136xi32, #tpu.memory_space<vmem>> -> memref<112xi32, #tpu.memory_space<vmem>>
    %dma_start3A_11 = arith.constant 0 : i32
    %dma_start3A_12 = arith.constant 0 : i32
    %dma_start3A_13 = tpu.memref_slice %arg11[%dma_start3A_11, %dma_start3A_12] : memref<1024x64xf32, #tpu.memory_space<vmem_shared>> -> memref<1024x64xf32, #tpu.memory_space<vmem_shared>>
    tpu.enqueue_indirect_dma source(%dma_start3A_13 : memref<1024x64xf32, #tpu.memory_space<vmem_shared>>) target(%arg16 : memref<112x64xf32, #tpu.memory_space<vmem>>) offsets(%dma_start3A_10 : memref<112xi32, #tpu.memory_space<vmem>>) semaphore(%arg24 : memref<!tpu.dma_semaphore, #tpu.memory_space<semaphore_mem>>)
    %dma_start3A_14 = arith.constant 112 : i32
    %dma_start3A_15 = tpu.memref_slice %arg8[%dma_start3A_14] : memref<3136xi32, #tpu.memory_space<vmem>> -> memref<112xi32, #tpu.memory_space<vmem>>
    %dma_start3A_16 = arith.constant 0 : i32
    %dma_start3A_17 = arith.constant 0 : i32
    %dma_start3A_18 = tpu.memref_slice %arg10[%dma_start3A_16, %dma_start3A_17] : memref<1024x64xf32, #tpu.memory_space<vmem_shared>> -> memref<1024x64xf32, #tpu.memory_space<vmem_shared>>
    tpu.enqueue_indirect_dma source(%dma_start3A_18 : memref<1024x64xf32, #tpu.memory_space<vmem_shared>>) target(%arg13 : memref<112x64xf32, #tpu.memory_space<vmem>>) offsets(%dma_start3A_15 : memref<112xi32, #tpu.memory_space<vmem>>) semaphore(%arg21 : memref<!tpu.dma_semaphore, #tpu.memory_space<semaphore_mem>>)
    %dma_start3A_19 = arith.constant 112 : i32
    %dma_start3A_20 = tpu.memref_slice %arg9[%dma_start3A_19] : memref<3136xi32, #tpu.memory_space<vmem>> -> memref<112xi32, #tpu.memory_space<vmem>>
    %dma_start3A_21 = arith.constant 0 : i32
    %dma_start3A_22 = arith.constant 0 : i32
    %dma_start3A_23 = tpu.memref_slice %arg11[%dma_start3A_21, %dma_start3A_22] : memref<1024x64xf32, #tpu.memory_space<vmem_shared>> -> memref<1024x64xf32, #tpu.memory_space<vmem_shared>>
    tpu.enqueue_indirect_dma source(%dma_start3A_23 : memref<1024x64xf32, #tpu.memory_space<vmem_shared>>) target(%arg17 : memref<112x64xf32, #tpu.memory_space<vmem>>) offsets(%dma_start3A_20 : memref<112xi32, #tpu.memory_space<vmem>>) semaphore(%arg25 : memref<!tpu.dma_semaphore, #tpu.memory_space<semaphore_mem>>)
    %dma_start3A_24 = arith.constant 224 : i32
    %dma_start3A_25 = tpu.memref_slice %arg8[%dma_start3A_24] : memref<3136xi32, #tpu.memory_space<vmem>> -> memref<112xi32, #tpu.memory_space<vmem>>
    %dma_start3A_26 = arith.constant 0 : i32
    %dma_start3A_27 = arith.constant 0 : i32
    %dma_start3A_28 = tpu.memref_slice %arg10[%dma_start3A_26, %dma_start3A_27] : memref<1024x64xf32, #tpu.memory_space<vmem_shared>> -> memref<1024x64xf32, #tpu.memory_space<vmem_shared>>
    tpu.enqueue_indirect_dma source(%dma_start3A_28 : memref<1024x64xf32, #tpu.memory_space<vmem_shared>>) target(%arg14 : memref<112x64xf32, #tpu.memory_space<vmem>>) offsets(%dma_start3A_25 : memref<112xi32, #tpu.memory_space<vmem>>) semaphore(%arg22 : memref<!tpu.dma_semaphore, #tpu.memory_space<semaphore_mem>>)
    %dma_start3A_29 = arith.constant 224 : i32
    %dma_start3A_30 = tpu.memref_slice %arg9[%dma_start3A_29] : memref<3136xi32, #tpu.memory_space<vmem>> -> memref<112xi32, #tpu.memory_space<vmem>>
    %dma_start3A_31 = arith.constant 0 : i32
    %dma_start3A_32 = arith.constant 0 : i32
    %dma_start3A_33 = tpu.memref_slice %arg11[%dma_start3A_31, %dma_start3A_32] : memref<1024x64xf32, #tpu.memory_space<vmem_shared>> -> memref<1024x64xf32, #tpu.memory_space<vmem_shared>>
    tpu.enqueue_indirect_dma source(%dma_start3A_33 : memref<1024x64xf32, #tpu.memory_space<vmem_shared>>) target(%arg18 : memref<112x64xf32, #tpu.memory_space<vmem>>) offsets(%dma_start3A_30 : memref<112xi32, #tpu.memory_space<vmem>>) semaphore(%arg26 : memref<!tpu.dma_semaphore, #tpu.memory_space<semaphore_mem>>)
    %dma_start3A_34 = arith.constant 336 : i32
    %dma_start3A_35 = tpu.memref_slice %arg8[%dma_start3A_34] : memref<3136xi32, #tpu.memory_space<vmem>> -> memref<112xi32, #tpu.memory_space<vmem>>
    %dma_start3A_36 = arith.constant 0 : i32
    %dma_start3A_37 = arith.constant 0 : i32
    %dma_start3A_38 = tpu.memref_slice %arg10[%dma_start3A_36, %dma_start3A_37] : memref<1024x64xf32, #tpu.memory_space<vmem_shared>> -> memref<1024x64xf32, #tpu.memory_space<vmem_shared>>
    tpu.enqueue_indirect_dma source(%dma_start3A_38 : memref<1024x64xf32, #tpu.memory_space<vmem_shared>>) target(%arg15 : memref<112x64xf32, #tpu.memory_space<vmem>>) offsets(%dma_start3A_35 : memref<112xi32, #tpu.memory_space<vmem>>) semaphore(%arg23 : memref<!tpu.dma_semaphore, #tpu.memory_space<semaphore_mem>>)
    %dma_start3A_39 = arith.constant 336 : i32
    %dma_start3A_40 = tpu.memref_slice %arg9[%dma_start3A_39] : memref<3136xi32, #tpu.memory_space<vmem>> -> memref<112xi32, #tpu.memory_space<vmem>>
    %dma_start3A_41 = arith.constant 0 : i32
    %dma_start3A_42 = arith.constant 0 : i32
    %dma_start3A_43 = tpu.memref_slice %arg11[%dma_start3A_41, %dma_start3A_42] : memref<1024x64xf32, #tpu.memory_space<vmem_shared>> -> memref<1024x64xf32, #tpu.memory_space<vmem_shared>>
    tpu.enqueue_indirect_dma source(%dma_start3A_43 : memref<1024x64xf32, #tpu.memory_space<vmem_shared>>) target(%arg19 : memref<112x64xf32, #tpu.memory_space<vmem>>) offsets(%dma_start3A_40 : memref<112xi32, #tpu.memory_space<vmem>>) semaphore(%arg27 : memref<!tpu.dma_semaphore, #tpu.memory_space<semaphore_mem>>)
    %scan3A = arith.constant 0 : i32
    %scan3A_44 = arith.constant 0 : i32
    %scan3A_45 = arith.constant 7 : i32
    %scan3A_46 = arith.addi %scan3A_44, %scan3A_45 : i32
    %scan3A_47 = arith.constant 1 : i32
    scf.for %scan3A_49 = %scan3A_44 to %scan3A_46 step %scan3A_47  : i32 {
      %mul3A_50 = arith.constant 4 : i32
      %mul3A_51 = arith.muli %scan3A_49, %mul3A_50 : i32
      %add3A_52 = arith.constant 0 : i32
      %add3A_53 = arith.addi %mul3A_51, %add3A_52 : i32
      %dma_wait3A = arith.constant 0 : i32
      %dma_wait3A_54 = arith.constant 0 : i32
      %dma_wait3A_55 = tpu.memref_slice %arg2[%dma_wait3A, %dma_wait3A_54] : memref<1024x64xf32, #tpu.memory_space<hbm>> -> memref<112x64xf32, #tpu.memory_space<hbm>>
      %dma_wait3A_56 = arith.constant 0 : i32
      %dma_wait3A_57 = arith.constant 0 : i32
      %dma_wait3A_58 = tpu.memref_slice %arg2[%dma_wait3A_56, %dma_wait3A_57] : memref<1024x64xf32, #tpu.memory_space<hbm>> -> memref<112x64xf32, #tpu.memory_space<hbm>>
      tpu.wait_dma2 semaphore(%arg20 : memref<!tpu.dma_semaphore, #tpu.memory_space<semaphore_mem>>) src(%dma_wait3A_58 : memref<112x64xf32, #tpu.memory_space<hbm>>) dst(%arg12 : memref<112x64xf32, #tpu.memory_space<vmem>>)
      %dma_wait3A_59 = arith.constant 0 : i32
      %dma_wait3A_60 = arith.constant 0 : i32
      %dma_wait3A_61 = tpu.memref_slice %arg3[%dma_wait3A_59, %dma_wait3A_60] : memref<1024x64xf32, #tpu.memory_space<hbm>> -> memref<112x64xf32, #tpu.memory_space<hbm>>
      %dma_wait3A_62 = arith.constant 0 : i32
      %dma_wait3A_63 = arith.constant 0 : i32
      %dma_wait3A_64 = tpu.memref_slice %arg3[%dma_wait3A_62, %dma_wait3A_63] : memref<1024x64xf32, #tpu.memory_space<hbm>> -> memref<112x64xf32, #tpu.memory_space<hbm>>
      tpu.wait_dma2 semaphore(%arg24 : memref<!tpu.dma_semaphore, #tpu.memory_space<semaphore_mem>>) src(%dma_wait3A_64 : memref<112x64xf32, #tpu.memory_space<hbm>>) dst(%arg16 : memref<112x64xf32, #tpu.memory_space<vmem>>)
      %mul3A_65 = arith.constant 112 : i32
      %mul3A_66 = arith.muli %add3A_53, %mul3A_65 : i32
      %add3A_67 = arith.addi %mul3A_2, %mul3A_66 : i32
      %add3A_68 = arith.constant 112 : i32
      %add3A_69 = arith.addi %add3A_67, %add3A_68 : i32
      %le3A = arith.constant 100000 : i32
      %le3A_70 = arith.cmpi sle, %add3A_69, %le3A : i32
      %convert_element_type3A_71 = arith.extui %le3A_70 : i1 to i32
      %cond3A_72 = arith.constant 0 : i32
      %cond3A_73 = arith.cmpi ne, %convert_element_type3A_71, %cond3A_72 : i32
      scf.if %cond3A_73 {
        "tpu.region"() ({
          %run_scoped3A = tpu.sem_alloc : memref<!tpu.dma_semaphore, #tpu.memory_space<semaphore_mem>>
          %dma_start3A_209 = arith.constant 0 : i32
          %dma_start3A_210 = tpu.memref_slice %arg6[%add3A_67, %dma_start3A_209] : memref<100000x64xf32, #tpu.memory_space<hbm>> -> memref<112x64xf32, #tpu.memory_space<hbm>>
          %dma_start3A_211 = arith.constant 0 : i32
          %dma_start3A_212 = tpu.memref_slice %arg6[%add3A_67, %dma_start3A_211] : memref<100000x64xf32, #tpu.memory_space<hbm>> -> memref<112x64xf32, #tpu.memory_space<hbm>>
          tpu.enqueue_dma source(%arg12 : memref<112x64xf32, #tpu.memory_space<vmem>>) target(%dma_start3A_212 : memref<112x64xf32, #tpu.memory_space<hbm>>) target_semaphore(%run_scoped3A : memref<!tpu.dma_semaphore, #tpu.memory_space<semaphore_mem>>)
          %dma_wait3A_213 = arith.constant 0 : i32
          %dma_wait3A_214 = tpu.memref_slice %arg6[%add3A_67, %dma_wait3A_213] : memref<100000x64xf32, #tpu.memory_space<hbm>> -> memref<112x64xf32, #tpu.memory_space<hbm>>
          %dma_wait3A_215 = arith.constant 0 : i32
          %dma_wait3A_216 = tpu.memref_slice %arg6[%add3A_67, %dma_wait3A_215] : memref<100000x64xf32, #tpu.memory_space<hbm>> -> memref<112x64xf32, #tpu.memory_space<hbm>>
          tpu.wait_dma2 semaphore(%run_scoped3A : memref<!tpu.dma_semaphore, #tpu.memory_space<semaphore_mem>>) src(%arg12 : memref<112x64xf32, #tpu.memory_space<vmem>>) dst(%dma_wait3A_216 : memref<112x64xf32, #tpu.memory_space<hbm>>)
          tpu.yield
        }) : () -> ()
        "tpu.region"() ({
          %run_scoped3A = tpu.sem_alloc : memref<!tpu.dma_semaphore, #tpu.memory_space<semaphore_mem>>
          %dma_start3A_209 = arith.constant 0 : i32
          %dma_start3A_210 = tpu.memref_slice %arg7[%add3A_67, %dma_start3A_209] : memref<100000x64xf32, #tpu.memory_space<hbm>> -> memref<112x64xf32, #tpu.memory_space<hbm>>
          %dma_start3A_211 = arith.constant 0 : i32
          %dma_start3A_212 = tpu.memref_slice %arg7[%add3A_67, %dma_start3A_211] : memref<100000x64xf32, #tpu.memory_space<hbm>> -> memref<112x64xf32, #tpu.memory_space<hbm>>
          tpu.enqueue_dma source(%arg16 : memref<112x64xf32, #tpu.memory_space<vmem>>) target(%dma_start3A_212 : memref<112x64xf32, #tpu.memory_space<hbm>>) target_semaphore(%run_scoped3A : memref<!tpu.dma_semaphore, #tpu.memory_space<semaphore_mem>>)
          %dma_wait3A_213 = arith.constant 0 : i32
          %dma_wait3A_214 = tpu.memref_slice %arg7[%add3A_67, %dma_wait3A_213] : memref<100000x64xf32, #tpu.memory_space<hbm>> -> memref<112x64xf32, #tpu.memory_space<hbm>>
          %dma_wait3A_215 = arith.constant 0 : i32
          %dma_wait3A_216 = tpu.memref_slice %arg7[%add3A_67, %dma_wait3A_215] : memref<100000x64xf32, #tpu.memory_space<hbm>> -> memref<112x64xf32, #tpu.memory_space<hbm>>
          tpu.wait_dma2 semaphore(%run_scoped3A : memref<!tpu.dma_semaphore, #tpu.memory_space<semaphore_mem>>) src(%arg16 : memref<112x64xf32, #tpu.memory_space<vmem>>) dst(%dma_wait3A_216 : memref<112x64xf32, #tpu.memory_space<hbm>>)
          tpu.yield
        }) : () -> ()
      } else {
      }
      %lt3A = arith.constant 100000 : i32
      %lt3A_74 = arith.cmpi slt, %add3A_67, %lt3A : i32
      %add3A_75 = arith.constant 112 : i32
      %add3A_76 = arith.addi %add3A_67, %add3A_75 : i32
      %gt3A = arith.constant 100000 : i32
      %gt3A_77 = arith.cmpi sgt, %add3A_76, %gt3A : i32
      %and3A = arith.andi %lt3A_74, %gt3A_77 : i1
      %convert_element_type3A_78 = arith.extui %and3A : i1 to i32
      %cond3A_79 = arith.constant 0 : i32
      %cond3A_80 = arith.cmpi ne, %convert_element_type3A_78, %cond3A_79 : i32
      scf.if %cond3A_80 {
        "tpu.region"() ({
          %run_scoped3A = tpu.sem_alloc : memref<!tpu.dma_semaphore, #tpu.memory_space<semaphore_mem>>
          %dma_start3A_209 = arith.constant 0 : i32
          %dma_start3A_210 = arith.constant 0 : i32
          %dma_start3A_211 = tpu.memref_slice %arg12[%dma_start3A_209, %dma_start3A_210] : memref<112x64xf32, #tpu.memory_space<vmem>> -> memref<96x64xf32, #tpu.memory_space<vmem>>
          %dma_start3A_212 = arith.constant 99904 : i32
          %dma_start3A_213 = arith.constant 0 : i32
          %dma_start3A_214 = tpu.memref_slice %arg6[%dma_start3A_212, %dma_start3A_213] : memref<100000x64xf32, #tpu.memory_space<hbm>> -> memref<96x64xf32, #tpu.memory_space<hbm>>
          %dma_start3A_215 = arith.constant 99904 : i32
          %dma_start3A_216 = arith.constant 0 : i32
          %dma_start3A_217 = tpu.memref_slice %arg6[%dma_start3A_215, %dma_start3A_216] : memref<100000x64xf32, #tpu.memory_space<hbm>> -> memref<96x64xf32, #tpu.memory_space<hbm>>
          %dma_start3A_218 = arith.constant 0 : i32
          %dma_start3A_219 = arith.constant 0 : i32
          %dma_start3A_220 = tpu.memref_slice %arg12[%dma_start3A_218, %dma_start3A_219] : memref<112x64xf32, #tpu.memory_space<vmem>> -> memref<96x64xf32, #tpu.memory_space<vmem>>
          tpu.enqueue_dma source(%dma_start3A_220 : memref<96x64xf32, #tpu.memory_space<vmem>>) target(%dma_start3A_217 : memref<96x64xf32, #tpu.memory_space<hbm>>) target_semaphore(%run_scoped3A : memref<!tpu.dma_semaphore, #tpu.memory_space<semaphore_mem>>)
          %dma_wait3A_221 = arith.constant 0 : i32
          %dma_wait3A_222 = arith.constant 0 : i32
          %dma_wait3A_223 = tpu.memref_slice %arg12[%dma_wait3A_221, %dma_wait3A_222] : memref<112x64xf32, #tpu.memory_space<vmem>> -> memref<96x64xf32, #tpu.memory_space<vmem>>
          %dma_wait3A_224 = arith.constant 99904 : i32
          %dma_wait3A_225 = arith.constant 0 : i32
          %dma_wait3A_226 = tpu.memref_slice %arg6[%dma_wait3A_224, %dma_wait3A_225] : memref<100000x64xf32, #tpu.memory_space<hbm>> -> memref<96x64xf32, #tpu.memory_space<hbm>>
          %dma_wait3A_227 = arith.constant 99904 : i32
          %dma_wait3A_228 = arith.constant 0 : i32
          %dma_wait3A_229 = tpu.memref_slice %arg6[%dma_wait3A_227, %dma_wait3A_228] : memref<100000x64xf32, #tpu.memory_space<hbm>> -> memref<96x64xf32, #tpu.memory_space<hbm>>
          %dma_wait3A_230 = arith.constant 0 : i32
          %dma_wait3A_231 = arith.constant 0 : i32
          %dma_wait3A_232 = tpu.memref_slice %arg12[%dma_wait3A_230, %dma_wait3A_231] : memref<112x64xf32, #tpu.memory_space<vmem>> -> memref<96x64xf32, #tpu.memory_space<vmem>>
          tpu.wait_dma2 semaphore(%run_scoped3A : memref<!tpu.dma_semaphore, #tpu.memory_space<semaphore_mem>>) src(%dma_wait3A_232 : memref<96x64xf32, #tpu.memory_space<vmem>>) dst(%dma_wait3A_229 : memref<96x64xf32, #tpu.memory_space<hbm>>)
          tpu.yield
        }) : () -> ()
        "tpu.region"() ({
          %run_scoped3A = tpu.sem_alloc : memref<!tpu.dma_semaphore, #tpu.memory_space<semaphore_mem>>
          %dma_start3A_209 = arith.constant 0 : i32
          %dma_start3A_210 = arith.constant 0 : i32
          %dma_start3A_211 = tpu.memref_slice %arg16[%dma_start3A_209, %dma_start3A_210] : memref<112x64xf32, #tpu.memory_space<vmem>> -> memref<96x64xf32, #tpu.memory_space<vmem>>
          %dma_start3A_212 = arith.constant 99904 : i32
          %dma_start3A_213 = arith.constant 0 : i32
          %dma_start3A_214 = tpu.memref_slice %arg7[%dma_start3A_212, %dma_start3A_213] : memref<100000x64xf32, #tpu.memory_space<hbm>> -> memref<96x64xf32, #tpu.memory_space<hbm>>
          %dma_start3A_215 = arith.constant 99904 : i32
          %dma_start3A_216 = arith.constant 0 : i32
          %dma_start3A_217 = tpu.memref_slice %arg7[%dma_start3A_215, %dma_start3A_216] : memref<100000x64xf32, #tpu.memory_space<hbm>> -> memref<96x64xf32, #tpu.memory_space<hbm>>
          %dma_start3A_218 = arith.constant 0 : i32
          %dma_start3A_219 = arith.constant 0 : i32
          %dma_start3A_220 = tpu.memref_slice %arg16[%dma_start3A_218, %dma_start3A_219] : memref<112x64xf32, #tpu.memory_space<vmem>> -> memref<96x64xf32, #tpu.memory_space<vmem>>
          tpu.enqueue_dma source(%dma_start3A_220 : memref<96x64xf32, #tpu.memory_space<vmem>>) target(%dma_start3A_217 : memref<96x64xf32, #tpu.memory_space<hbm>>) target_semaphore(%run_scoped3A : memref<!tpu.dma_semaphore, #tpu.memory_space<semaphore_mem>>)
          %dma_wait3A_221 = arith.constant 0 : i32
          %dma_wait3A_222 = arith.constant 0 : i32
          %dma_wait3A_223 = tpu.memref_slice %arg16[%dma_wait3A_221, %dma_wait3A_222] : memref<112x64xf32, #tpu.memory_space<vmem>> -> memref<96x64xf32, #tpu.memory_space<vmem>>
          %dma_wait3A_224 = arith.constant 99904 : i32
          %dma_wait3A_225 = arith.constant 0 : i32
          %dma_wait3A_226 = tpu.memref_slice %arg7[%dma_wait3A_224, %dma_wait3A_225] : memref<100000x64xf32, #tpu.memory_space<hbm>> -> memref<96x64xf32, #tpu.memory_space<hbm>>
          %dma_wait3A_227 = arith.constant 99904 : i32
          %dma_wait3A_228 = arith.constant 0 : i32
          %dma_wait3A_229 = tpu.memref_slice %arg7[%dma_wait3A_227, %dma_wait3A_228] : memref<100000x64xf32, #tpu.memory_space<hbm>> -> memref<96x64xf32, #tpu.memory_space<hbm>>
          %dma_wait3A_230 = arith.constant 0 : i32
          %dma_wait3A_231 = arith.constant 0 : i32
          %dma_wait3A_232 = tpu.memref_slice %arg16[%dma_wait3A_230, %dma_wait3A_231] : memref<112x64xf32, #tpu.memory_space<vmem>> -> memref<96x64xf32, #tpu.memory_space<vmem>>
          tpu.wait_dma2 semaphore(%run_scoped3A : memref<!tpu.dma_semaphore, #tpu.memory_space<semaphore_mem>>) src(%dma_wait3A_232 : memref<96x64xf32, #tpu.memory_space<vmem>>) dst(%dma_wait3A_229 : memref<96x64xf32, #tpu.memory_space<hbm>>)
          tpu.yield
        }) : () -> ()
      } else {
      }
      %lt3A_81 = arith.constant 6 : i32
      %lt3A_82 = arith.cmpi slt, %scan3A_49, %lt3A_81 : i32
      %convert_element_type3A_83 = arith.extui %lt3A_82 : i1 to i32
      %cond3A_84 = arith.constant 0 : i32
      %cond3A_85 = arith.cmpi ne, %convert_element_type3A_83, %cond3A_84 : i32
      scf.if %cond3A_85 {
        %add3A_209 = arith.constant 4 : i32
        %add3A_210 = arith.addi %add3A_53, %add3A_209 : i32
        %mul3A_211 = arith.constant 112 : i32
        %mul3A_212 = arith.muli %add3A_210, %mul3A_211 : i32
        %dma_start3A_213 = tpu.memref_slice %arg8[%mul3A_212] : memref<3136xi32, #tpu.memory_space<vmem>> -> memref<112xi32, #tpu.memory_space<vmem>>
        %dma_start3A_214 = arith.constant 0 : i32
        %dma_start3A_215 = arith.constant 0 : i32
        %dma_start3A_216 = tpu.memref_slice %arg10[%dma_start3A_214, %dma_start3A_215] : memref<1024x64xf32, #tpu.memory_space<vmem_shared>> -> memref<1024x64xf32, #tpu.memory_space<vmem_shared>>
        tpu.enqueue_indirect_dma source(%dma_start3A_216 : memref<1024x64xf32, #tpu.memory_space<vmem_shared>>) target(%arg12 : memref<112x64xf32, #tpu.memory_space<vmem>>) offsets(%dma_start3A_213 : memref<112xi32, #tpu.memory_space<vmem>>) semaphore(%arg20 : memref<!tpu.dma_semaphore, #tpu.memory_space<semaphore_mem>>)
        %dma_start3A_217 = tpu.memref_slice %arg9[%mul3A_212] : memref<3136xi32, #tpu.memory_space<vmem>> -> memref<112xi32, #tpu.memory_space<vmem>>
        %dma_start3A_218 = arith.constant 0 : i32
        %dma_start3A_219 = arith.constant 0 : i32
        %dma_start3A_220 = tpu.memref_slice %arg11[%dma_start3A_218, %dma_start3A_219] : memref<1024x64xf32, #tpu.memory_space<vmem_shared>> -> memref<1024x64xf32, #tpu.memory_space<vmem_shared>>
        tpu.enqueue_indirect_dma source(%dma_start3A_220 : memref<1024x64xf32, #tpu.memory_space<vmem_shared>>) target(%arg16 : memref<112x64xf32, #tpu.memory_space<vmem>>) offsets(%dma_start3A_217 : memref<112xi32, #tpu.memory_space<vmem>>) semaphore(%arg24 : memref<!tpu.dma_semaphore, #tpu.memory_space<semaphore_mem>>)
      } else {
      }
      %mul3A_86 = arith.constant 4 : i32
      %mul3A_87 = arith.muli %scan3A_49, %mul3A_86 : i32
      %add3A_88 = arith.constant 1 : i32
      %add3A_89 = arith.addi %mul3A_87, %add3A_88 : i32
      %dma_wait3A_90 = arith.constant 0 : i32
      %dma_wait3A_91 = arith.constant 0 : i32
      %dma_wait3A_92 = tpu.memref_slice %arg2[%dma_wait3A_90, %dma_wait3A_91] : memref<1024x64xf32, #tpu.memory_space<hbm>> -> memref<112x64xf32, #tpu.memory_space<hbm>>
      %dma_wait3A_93 = arith.constant 0 : i32
      %dma_wait3A_94 = arith.constant 0 : i32
      %dma_wait3A_95 = tpu.memref_slice %arg2[%dma_wait3A_93, %dma_wait3A_94] : memref<1024x64xf32, #tpu.memory_space<hbm>> -> memref<112x64xf32, #tpu.memory_space<hbm>>
      tpu.wait_dma2 semaphore(%arg21 : memref<!tpu.dma_semaphore, #tpu.memory_space<semaphore_mem>>) src(%dma_wait3A_95 : memref<112x64xf32, #tpu.memory_space<hbm>>) dst(%arg13 : memref<112x64xf32, #tpu.memory_space<vmem>>)
      %dma_wait3A_96 = arith.constant 0 : i32
      %dma_wait3A_97 = arith.constant 0 : i32
      %dma_wait3A_98 = tpu.memref_slice %arg3[%dma_wait3A_96, %dma_wait3A_97] : memref<1024x64xf32, #tpu.memory_space<hbm>> -> memref<112x64xf32, #tpu.memory_space<hbm>>
      %dma_wait3A_99 = arith.constant 0 : i32
      %dma_wait3A_100 = arith.constant 0 : i32
      %dma_wait3A_101 = tpu.memref_slice %arg3[%dma_wait3A_99, %dma_wait3A_100] : memref<1024x64xf32, #tpu.memory_space<hbm>> -> memref<112x64xf32, #tpu.memory_space<hbm>>
      tpu.wait_dma2 semaphore(%arg25 : memref<!tpu.dma_semaphore, #tpu.memory_space<semaphore_mem>>) src(%dma_wait3A_101 : memref<112x64xf32, #tpu.memory_space<hbm>>) dst(%arg17 : memref<112x64xf32, #tpu.memory_space<vmem>>)
      %mul3A_102 = arith.constant 112 : i32
      %mul3A_103 = arith.muli %add3A_89, %mul3A_102 : i32
      %add3A_104 = arith.addi %mul3A_2, %mul3A_103 : i32
      %add3A_105 = arith.constant 112 : i32
      %add3A_106 = arith.addi %add3A_104, %add3A_105 : i32
      %le3A_107 = arith.constant 100000 : i32
      %le3A_108 = arith.cmpi sle, %add3A_106, %le3A_107 : i32
      %convert_element_type3A_109 = arith.extui %le3A_108 : i1 to i32
      %cond3A_110 = arith.constant 0 : i32
      %cond3A_111 = arith.cmpi ne, %convert_element_type3A_109, %cond3A_110 : i32
      scf.if %cond3A_111 {
        "tpu.region"() ({
          %run_scoped3A = tpu.sem_alloc : memref<!tpu.dma_semaphore, #tpu.memory_space<semaphore_mem>>
          %dma_start3A_209 = arith.constant 0 : i32
          %dma_start3A_210 = tpu.memref_slice %arg6[%add3A_104, %dma_start3A_209] : memref<100000x64xf32, #tpu.memory_space<hbm>> -> memref<112x64xf32, #tpu.memory_space<hbm>>
          %dma_start3A_211 = arith.constant 0 : i32
          %dma_start3A_212 = tpu.memref_slice %arg6[%add3A_104, %dma_start3A_211] : memref<100000x64xf32, #tpu.memory_space<hbm>> -> memref<112x64xf32, #tpu.memory_space<hbm>>
          tpu.enqueue_dma source(%arg13 : memref<112x64xf32, #tpu.memory_space<vmem>>) target(%dma_start3A_212 : memref<112x64xf32, #tpu.memory_space<hbm>>) target_semaphore(%run_scoped3A : memref<!tpu.dma_semaphore, #tpu.memory_space<semaphore_mem>>)
          %dma_wait3A_213 = arith.constant 0 : i32
          %dma_wait3A_214 = tpu.memref_slice %arg6[%add3A_104, %dma_wait3A_213] : memref<100000x64xf32, #tpu.memory_space<hbm>> -> memref<112x64xf32, #tpu.memory_space<hbm>>
          %dma_wait3A_215 = arith.constant 0 : i32
          %dma_wait3A_216 = tpu.memref_slice %arg6[%add3A_104, %dma_wait3A_215] : memref<100000x64xf32, #tpu.memory_space<hbm>> -> memref<112x64xf32, #tpu.memory_space<hbm>>
          tpu.wait_dma2 semaphore(%run_scoped3A : memref<!tpu.dma_semaphore, #tpu.memory_space<semaphore_mem>>) src(%arg13 : memref<112x64xf32, #tpu.memory_space<vmem>>) dst(%dma_wait3A_216 : memref<112x64xf32, #tpu.memory_space<hbm>>)
          tpu.yield
        }) : () -> ()
        "tpu.region"() ({
          %run_scoped3A = tpu.sem_alloc : memref<!tpu.dma_semaphore, #tpu.memory_space<semaphore_mem>>
          %dma_start3A_209 = arith.constant 0 : i32
          %dma_start3A_210 = tpu.memref_slice %arg7[%add3A_104, %dma_start3A_209] : memref<100000x64xf32, #tpu.memory_space<hbm>> -> memref<112x64xf32, #tpu.memory_space<hbm>>
          %dma_start3A_211 = arith.constant 0 : i32
          %dma_start3A_212 = tpu.memref_slice %arg7[%add3A_104, %dma_start3A_211] : memref<100000x64xf32, #tpu.memory_space<hbm>> -> memref<112x64xf32, #tpu.memory_space<hbm>>
          tpu.enqueue_dma source(%arg17 : memref<112x64xf32, #tpu.memory_space<vmem>>) target(%dma_start3A_212 : memref<112x64xf32, #tpu.memory_space<hbm>>) target_semaphore(%run_scoped3A : memref<!tpu.dma_semaphore, #tpu.memory_space<semaphore_mem>>)
          %dma_wait3A_213 = arith.constant 0 : i32
          %dma_wait3A_214 = tpu.memref_slice %arg7[%add3A_104, %dma_wait3A_213] : memref<100000x64xf32, #tpu.memory_space<hbm>> -> memref<112x64xf32, #tpu.memory_space<hbm>>
          %dma_wait3A_215 = arith.constant 0 : i32
          %dma_wait3A_216 = tpu.memref_slice %arg7[%add3A_104, %dma_wait3A_215] : memref<100000x64xf32, #tpu.memory_space<hbm>> -> memref<112x64xf32, #tpu.memory_space<hbm>>
          tpu.wait_dma2 semaphore(%run_scoped3A : memref<!tpu.dma_semaphore, #tpu.memory_space<semaphore_mem>>) src(%arg17 : memref<112x64xf32, #tpu.memory_space<vmem>>) dst(%dma_wait3A_216 : memref<112x64xf32, #tpu.memory_space<hbm>>)
          tpu.yield
        }) : () -> ()
      } else {
      }
      %lt3A_112 = arith.constant 100000 : i32
      %lt3A_113 = arith.cmpi slt, %add3A_104, %lt3A_112 : i32
      %add3A_114 = arith.constant 112 : i32
      %add3A_115 = arith.addi %add3A_104, %add3A_114 : i32
      %gt3A_116 = arith.constant 100000 : i32
      %gt3A_117 = arith.cmpi sgt, %add3A_115, %gt3A_116 : i32
      %and3A_118 = arith.andi %lt3A_113, %gt3A_117 : i1
      %convert_element_type3A_119 = arith.extui %and3A_118 : i1 to i32
      %cond3A_120 = arith.constant 0 : i32
      %cond3A_121 = arith.cmpi ne, %convert_element_type3A_119, %cond3A_120 : i32
      scf.if %cond3A_121 {
        "tpu.region"() ({
          %run_scoped3A = tpu.sem_alloc : memref<!tpu.dma_semaphore, #tpu.memory_space<semaphore_mem>>
          %dma_start3A_209 = arith.constant 0 : i32
          %dma_start3A_210 = arith.constant 0 : i32
          %dma_start3A_211 = tpu.memref_slice %arg13[%dma_start3A_209, %dma_start3A_210] : memref<112x64xf32, #tpu.memory_space<vmem>> -> memref<96x64xf32, #tpu.memory_space<vmem>>
          %dma_start3A_212 = arith.constant 99904 : i32
          %dma_start3A_213 = arith.constant 0 : i32
          %dma_start3A_214 = tpu.memref_slice %arg6[%dma_start3A_212, %dma_start3A_213] : memref<100000x64xf32, #tpu.memory_space<hbm>> -> memref<96x64xf32, #tpu.memory_space<hbm>>
          %dma_start3A_215 = arith.constant 99904 : i32
          %dma_start3A_216 = arith.constant 0 : i32
          %dma_start3A_217 = tpu.memref_slice %arg6[%dma_start3A_215, %dma_start3A_216] : memref<100000x64xf32, #tpu.memory_space<hbm>> -> memref<96x64xf32, #tpu.memory_space<hbm>>
          %dma_start3A_218 = arith.constant 0 : i32
          %dma_start3A_219 = arith.constant 0 : i32
          %dma_start3A_220 = tpu.memref_slice %arg13[%dma_start3A_218, %dma_start3A_219] : memref<112x64xf32, #tpu.memory_space<vmem>> -> memref<96x64xf32, #tpu.memory_space<vmem>>
          tpu.enqueue_dma source(%dma_start3A_220 : memref<96x64xf32, #tpu.memory_space<vmem>>) target(%dma_start3A_217 : memref<96x64xf32, #tpu.memory_space<hbm>>) target_semaphore(%run_scoped3A : memref<!tpu.dma_semaphore, #tpu.memory_space<semaphore_mem>>)
          %dma_wait3A_221 = arith.constant 0 : i32
          %dma_wait3A_222 = arith.constant 0 : i32
          %dma_wait3A_223 = tpu.memref_slice %arg13[%dma_wait3A_221, %dma_wait3A_222] : memref<112x64xf32, #tpu.memory_space<vmem>> -> memref<96x64xf32, #tpu.memory_space<vmem>>
          %dma_wait3A_224 = arith.constant 99904 : i32
          %dma_wait3A_225 = arith.constant 0 : i32
          %dma_wait3A_226 = tpu.memref_slice %arg6[%dma_wait3A_224, %dma_wait3A_225] : memref<100000x64xf32, #tpu.memory_space<hbm>> -> memref<96x64xf32, #tpu.memory_space<hbm>>
          %dma_wait3A_227 = arith.constant 99904 : i32
          %dma_wait3A_228 = arith.constant 0 : i32
          %dma_wait3A_229 = tpu.memref_slice %arg6[%dma_wait3A_227, %dma_wait3A_228] : memref<100000x64xf32, #tpu.memory_space<hbm>> -> memref<96x64xf32, #tpu.memory_space<hbm>>
          %dma_wait3A_230 = arith.constant 0 : i32
          %dma_wait3A_231 = arith.constant 0 : i32
          %dma_wait3A_232 = tpu.memref_slice %arg13[%dma_wait3A_230, %dma_wait3A_231] : memref<112x64xf32, #tpu.memory_space<vmem>> -> memref<96x64xf32, #tpu.memory_space<vmem>>
          tpu.wait_dma2 semaphore(%run_scoped3A : memref<!tpu.dma_semaphore, #tpu.memory_space<semaphore_mem>>) src(%dma_wait3A_232 : memref<96x64xf32, #tpu.memory_space<vmem>>) dst(%dma_wait3A_229 : memref<96x64xf32, #tpu.memory_space<hbm>>)
          tpu.yield
        }) : () -> ()
        "tpu.region"() ({
          %run_scoped3A = tpu.sem_alloc : memref<!tpu.dma_semaphore, #tpu.memory_space<semaphore_mem>>
          %dma_start3A_209 = arith.constant 0 : i32
          %dma_start3A_210 = arith.constant 0 : i32
          %dma_start3A_211 = tpu.memref_slice %arg17[%dma_start3A_209, %dma_start3A_210] : memref<112x64xf32, #tpu.memory_space<vmem>> -> memref<96x64xf32, #tpu.memory_space<vmem>>
          %dma_start3A_212 = arith.constant 99904 : i32
          %dma_start3A_213 = arith.constant 0 : i32
          %dma_start3A_214 = tpu.memref_slice %arg7[%dma_start3A_212, %dma_start3A_213] : memref<100000x64xf32, #tpu.memory_space<hbm>> -> memref<96x64xf32, #tpu.memory_space<hbm>>
          %dma_start3A_215 = arith.constant 99904 : i32
          %dma_start3A_216 = arith.constant 0 : i32
          %dma_start3A_217 = tpu.memref_slice %arg7[%dma_start3A_215, %dma_start3A_216] : memref<100000x64xf32, #tpu.memory_space<hbm>> -> memref<96x64xf32, #tpu.memory_space<hbm>>
          %dma_start3A_218 = arith.constant 0 : i32
          %dma_start3A_219 = arith.constant 0 : i32
          %dma_start3A_220 = tpu.memref_slice %arg17[%dma_start3A_218, %dma_start3A_219] : memref<112x64xf32, #tpu.memory_space<vmem>> -> memref<96x64xf32, #tpu.memory_space<vmem>>
          tpu.enqueue_dma source(%dma_start3A_220 : memref<96x64xf32, #tpu.memory_space<vmem>>) target(%dma_start3A_217 : memref<96x64xf32, #tpu.memory_space<hbm>>) target_semaphore(%run_scoped3A : memref<!tpu.dma_semaphore, #tpu.memory_space<semaphore_mem>>)
          %dma_wait3A_221 = arith.constant 0 : i32
          %dma_wait3A_222 = arith.constant 0 : i32
          %dma_wait3A_223 = tpu.memref_slice %arg17[%dma_wait3A_221, %dma_wait3A_222] : memref<112x64xf32, #tpu.memory_space<vmem>> -> memref<96x64xf32, #tpu.memory_space<vmem>>
          %dma_wait3A_224 = arith.constant 99904 : i32
          %dma_wait3A_225 = arith.constant 0 : i32
          %dma_wait3A_226 = tpu.memref_slice %arg7[%dma_wait3A_224, %dma_wait3A_225] : memref<100000x64xf32, #tpu.memory_space<hbm>> -> memref<96x64xf32, #tpu.memory_space<hbm>>
          %dma_wait3A_227 = arith.constant 99904 : i32
          %dma_wait3A_228 = arith.constant 0 : i32
          %dma_wait3A_229 = tpu.memref_slice %arg7[%dma_wait3A_227, %dma_wait3A_228] : memref<100000x64xf32, #tpu.memory_space<hbm>> -> memref<96x64xf32, #tpu.memory_space<hbm>>
          %dma_wait3A_230 = arith.constant 0 : i32
          %dma_wait3A_231 = arith.constant 0 : i32
          %dma_wait3A_232 = tpu.memref_slice %arg17[%dma_wait3A_230, %dma_wait3A_231] : memref<112x64xf32, #tpu.memory_space<vmem>> -> memref<96x64xf32, #tpu.memory_space<vmem>>
          tpu.wait_dma2 semaphore(%run_scoped3A : memref<!tpu.dma_semaphore, #tpu.memory_space<semaphore_mem>>) src(%dma_wait3A_232 : memref<96x64xf32, #tpu.memory_space<vmem>>) dst(%dma_wait3A_229 : memref<96x64xf32, #tpu.memory_space<hbm>>)
          tpu.yield
        }) : () -> ()
      } else {
      }
      %lt3A_122 = arith.constant 6 : i32
      %lt3A_123 = arith.cmpi slt, %scan3A_49, %lt3A_122 : i32
      %convert_element_type3A_124 = arith.extui %lt3A_123 : i1 to i32
      %cond3A_125 = arith.constant 0 : i32
      %cond3A_126 = arith.cmpi ne, %convert_element_type3A_124, %cond3A_125 : i32
      scf.if %cond3A_126 {
        %add3A_209 = arith.constant 4 : i32
        %add3A_210 = arith.addi %add3A_89, %add3A_209 : i32
        %mul3A_211 = arith.constant 112 : i32
        %mul3A_212 = arith.muli %add3A_210, %mul3A_211 : i32
        %dma_start3A_213 = tpu.memref_slice %arg8[%mul3A_212] : memref<3136xi32, #tpu.memory_space<vmem>> -> memref<112xi32, #tpu.memory_space<vmem>>
        %dma_start3A_214 = arith.constant 0 : i32
        %dma_start3A_215 = arith.constant 0 : i32
        %dma_start3A_216 = tpu.memref_slice %arg10[%dma_start3A_214, %dma_start3A_215] : memref<1024x64xf32, #tpu.memory_space<vmem_shared>> -> memref<1024x64xf32, #tpu.memory_space<vmem_shared>>
        tpu.enqueue_indirect_dma source(%dma_start3A_216 : memref<1024x64xf32, #tpu.memory_space<vmem_shared>>) target(%arg13 : memref<112x64xf32, #tpu.memory_space<vmem>>) offsets(%dma_start3A_213 : memref<112xi32, #tpu.memory_space<vmem>>) semaphore(%arg21 : memref<!tpu.dma_semaphore, #tpu.memory_space<semaphore_mem>>)
        %dma_start3A_217 = tpu.memref_slice %arg9[%mul3A_212] : memref<3136xi32, #tpu.memory_space<vmem>> -> memref<112xi32, #tpu.memory_space<vmem>>
        %dma_start3A_218 = arith.constant 0 : i32
        %dma_start3A_219 = arith.constant 0 : i32
        %dma_start3A_220 = tpu.memref_slice %arg11[%dma_start3A_218, %dma_start3A_219] : memref<1024x64xf32, #tpu.memory_space<vmem_shared>> -> memref<1024x64xf32, #tpu.memory_space<vmem_shared>>
        tpu.enqueue_indirect_dma source(%dma_start3A_220 : memref<1024x64xf32, #tpu.memory_space<vmem_shared>>) target(%arg17 : memref<112x64xf32, #tpu.memory_space<vmem>>) offsets(%dma_start3A_217 : memref<112xi32, #tpu.memory_space<vmem>>) semaphore(%arg25 : memref<!tpu.dma_semaphore, #tpu.memory_space<semaphore_mem>>)
      } else {
      }
      %mul3A_127 = arith.constant 4 : i32
      %mul3A_128 = arith.muli %scan3A_49, %mul3A_127 : i32
      %add3A_129 = arith.constant 2 : i32
      %add3A_130 = arith.addi %mul3A_128, %add3A_129 : i32
      %dma_wait3A_131 = arith.constant 0 : i32
      %dma_wait3A_132 = arith.constant 0 : i32
      %dma_wait3A_133 = tpu.memref_slice %arg2[%dma_wait3A_131, %dma_wait3A_132] : memref<1024x64xf32, #tpu.memory_space<hbm>> -> memref<112x64xf32, #tpu.memory_space<hbm>>
      %dma_wait3A_134 = arith.constant 0 : i32
      %dma_wait3A_135 = arith.constant 0 : i32
      %dma_wait3A_136 = tpu.memref_slice %arg2[%dma_wait3A_134, %dma_wait3A_135] : memref<1024x64xf32, #tpu.memory_space<hbm>> -> memref<112x64xf32, #tpu.memory_space<hbm>>
      tpu.wait_dma2 semaphore(%arg22 : memref<!tpu.dma_semaphore, #tpu.memory_space<semaphore_mem>>) src(%dma_wait3A_136 : memref<112x64xf32, #tpu.memory_space<hbm>>) dst(%arg14 : memref<112x64xf32, #tpu.memory_space<vmem>>)
      %dma_wait3A_137 = arith.constant 0 : i32
      %dma_wait3A_138 = arith.constant 0 : i32
      %dma_wait3A_139 = tpu.memref_slice %arg3[%dma_wait3A_137, %dma_wait3A_138] : memref<1024x64xf32, #tpu.memory_space<hbm>> -> memref<112x64xf32, #tpu.memory_space<hbm>>
      %dma_wait3A_140 = arith.constant 0 : i32
      %dma_wait3A_141 = arith.constant 0 : i32
      %dma_wait3A_142 = tpu.memref_slice %arg3[%dma_wait3A_140, %dma_wait3A_141] : memref<1024x64xf32, #tpu.memory_space<hbm>> -> memref<112x64xf32, #tpu.memory_space<hbm>>
      tpu.wait_dma2 semaphore(%arg26 : memref<!tpu.dma_semaphore, #tpu.memory_space<semaphore_mem>>) src(%dma_wait3A_142 : memref<112x64xf32, #tpu.memory_space<hbm>>) dst(%arg18 : memref<112x64xf32, #tpu.memory_space<vmem>>)
      %mul3A_143 = arith.constant 112 : i32
      %mul3A_144 = arith.muli %add3A_130, %mul3A_143 : i32
      %add3A_145 = arith.addi %mul3A_2, %mul3A_144 : i32
      %add3A_146 = arith.constant 112 : i32
      %add3A_147 = arith.addi %add3A_145, %add3A_146 : i32
      %le3A_148 = arith.constant 100000 : i32
      %le3A_149 = arith.cmpi sle, %add3A_147, %le3A_148 : i32
      %convert_element_type3A_150 = arith.extui %le3A_149 : i1 to i32
      %cond3A_151 = arith.constant 0 : i32
      %cond3A_152 = arith.cmpi ne, %convert_element_type3A_150, %cond3A_151 : i32
      scf.if %cond3A_152 {
        "tpu.region"() ({
          %run_scoped3A = tpu.sem_alloc : memref<!tpu.dma_semaphore, #tpu.memory_space<semaphore_mem>>
          %dma_start3A_209 = arith.constant 0 : i32
          %dma_start3A_210 = tpu.memref_slice %arg6[%add3A_145, %dma_start3A_209] : memref<100000x64xf32, #tpu.memory_space<hbm>> -> memref<112x64xf32, #tpu.memory_space<hbm>>
          %dma_start3A_211 = arith.constant 0 : i32
          %dma_start3A_212 = tpu.memref_slice %arg6[%add3A_145, %dma_start3A_211] : memref<100000x64xf32, #tpu.memory_space<hbm>> -> memref<112x64xf32, #tpu.memory_space<hbm>>
          tpu.enqueue_dma source(%arg14 : memref<112x64xf32, #tpu.memory_space<vmem>>) target(%dma_start3A_212 : memref<112x64xf32, #tpu.memory_space<hbm>>) target_semaphore(%run_scoped3A : memref<!tpu.dma_semaphore, #tpu.memory_space<semaphore_mem>>)
          %dma_wait3A_213 = arith.constant 0 : i32
          %dma_wait3A_214 = tpu.memref_slice %arg6[%add3A_145, %dma_wait3A_213] : memref<100000x64xf32, #tpu.memory_space<hbm>> -> memref<112x64xf32, #tpu.memory_space<hbm>>
          %dma_wait3A_215 = arith.constant 0 : i32
          %dma_wait3A_216 = tpu.memref_slice %arg6[%add3A_145, %dma_wait3A_215] : memref<100000x64xf32, #tpu.memory_space<hbm>> -> memref<112x64xf32, #tpu.memory_space<hbm>>
          tpu.wait_dma2 semaphore(%run_scoped3A : memref<!tpu.dma_semaphore, #tpu.memory_space<semaphore_mem>>) src(%arg14 : memref<112x64xf32, #tpu.memory_space<vmem>>) dst(%dma_wait3A_216 : memref<112x64xf32, #tpu.memory_space<hbm>>)
          tpu.yield
        }) : () -> ()
        "tpu.region"() ({
          %run_scoped3A = tpu.sem_alloc : memref<!tpu.dma_semaphore, #tpu.memory_space<semaphore_mem>>
          %dma_start3A_209 = arith.constant 0 : i32
          %dma_start3A_210 = tpu.memref_slice %arg7[%add3A_145, %dma_start3A_209] : memref<100000x64xf32, #tpu.memory_space<hbm>> -> memref<112x64xf32, #tpu.memory_space<hbm>>
          %dma_start3A_211 = arith.constant 0 : i32
          %dma_start3A_212 = tpu.memref_slice %arg7[%add3A_145, %dma_start3A_211] : memref<100000x64xf32, #tpu.memory_space<hbm>> -> memref<112x64xf32, #tpu.memory_space<hbm>>
          tpu.enqueue_dma source(%arg18 : memref<112x64xf32, #tpu.memory_space<vmem>>) target(%dma_start3A_212 : memref<112x64xf32, #tpu.memory_space<hbm>>) target_semaphore(%run_scoped3A : memref<!tpu.dma_semaphore, #tpu.memory_space<semaphore_mem>>)
          %dma_wait3A_213 = arith.constant 0 : i32
          %dma_wait3A_214 = tpu.memref_slice %arg7[%add3A_145, %dma_wait3A_213] : memref<100000x64xf32, #tpu.memory_space<hbm>> -> memref<112x64xf32, #tpu.memory_space<hbm>>
          %dma_wait3A_215 = arith.constant 0 : i32
          %dma_wait3A_216 = tpu.memref_slice %arg7[%add3A_145, %dma_wait3A_215] : memref<100000x64xf32, #tpu.memory_space<hbm>> -> memref<112x64xf32, #tpu.memory_space<hbm>>
          tpu.wait_dma2 semaphore(%run_scoped3A : memref<!tpu.dma_semaphore, #tpu.memory_space<semaphore_mem>>) src(%arg18 : memref<112x64xf32, #tpu.memory_space<vmem>>) dst(%dma_wait3A_216 : memref<112x64xf32, #tpu.memory_space<hbm>>)
          tpu.yield
        }) : () -> ()
      } else {
      }
      %lt3A_153 = arith.constant 100000 : i32
      %lt3A_154 = arith.cmpi slt, %add3A_145, %lt3A_153 : i32
      %add3A_155 = arith.constant 112 : i32
      %add3A_156 = arith.addi %add3A_145, %add3A_155 : i32
      %gt3A_157 = arith.constant 100000 : i32
      %gt3A_158 = arith.cmpi sgt, %add3A_156, %gt3A_157 : i32
      %and3A_159 = arith.andi %lt3A_154, %gt3A_158 : i1
      %convert_element_type3A_160 = arith.extui %and3A_159 : i1 to i32
      %cond3A_161 = arith.constant 0 : i32
      %cond3A_162 = arith.cmpi ne, %convert_element_type3A_160, %cond3A_161 : i32
      scf.if %cond3A_162 {
        "tpu.region"() ({
          %run_scoped3A = tpu.sem_alloc : memref<!tpu.dma_semaphore, #tpu.memory_space<semaphore_mem>>
          %dma_start3A_209 = arith.constant 0 : i32
          %dma_start3A_210 = arith.constant 0 : i32
          %dma_start3A_211 = tpu.memref_slice %arg14[%dma_start3A_209, %dma_start3A_210] : memref<112x64xf32, #tpu.memory_space<vmem>> -> memref<96x64xf32, #tpu.memory_space<vmem>>
          %dma_start3A_212 = arith.constant 99904 : i32
          %dma_start3A_213 = arith.constant 0 : i32
          %dma_start3A_214 = tpu.memref_slice %arg6[%dma_start3A_212, %dma_start3A_213] : memref<100000x64xf32, #tpu.memory_space<hbm>> -> memref<96x64xf32, #tpu.memory_space<hbm>>
          %dma_start3A_215 = arith.constant 99904 : i32
          %dma_start3A_216 = arith.constant 0 : i32
          %dma_start3A_217 = tpu.memref_slice %arg6[%dma_start3A_215, %dma_start3A_216] : memref<100000x64xf32, #tpu.memory_space<hbm>> -> memref<96x64xf32, #tpu.memory_space<hbm>>
          %dma_start3A_218 = arith.constant 0 : i32
          %dma_start3A_219 = arith.constant 0 : i32
          %dma_start3A_220 = tpu.memref_slice %arg14[%dma_start3A_218, %dma_start3A_219] : memref<112x64xf32, #tpu.memory_space<vmem>> -> memref<96x64xf32, #tpu.memory_space<vmem>>
          tpu.enqueue_dma source(%dma_start3A_220 : memref<96x64xf32, #tpu.memory_space<vmem>>) target(%dma_start3A_217 : memref<96x64xf32, #tpu.memory_space<hbm>>) target_semaphore(%run_scoped3A : memref<!tpu.dma_semaphore, #tpu.memory_space<semaphore_mem>>)
          %dma_wait3A_221 = arith.constant 0 : i32
          %dma_wait3A_222 = arith.constant 0 : i32
          %dma_wait3A_223 = tpu.memref_slice %arg14[%dma_wait3A_221, %dma_wait3A_222] : memref<112x64xf32, #tpu.memory_space<vmem>> -> memref<96x64xf32, #tpu.memory_space<vmem>>
          %dma_wait3A_224 = arith.constant 99904 : i32
          %dma_wait3A_225 = arith.constant 0 : i32
          %dma_wait3A_226 = tpu.memref_slice %arg6[%dma_wait3A_224, %dma_wait3A_225] : memref<100000x64xf32, #tpu.memory_space<hbm>> -> memref<96x64xf32, #tpu.memory_space<hbm>>
          %dma_wait3A_227 = arith.constant 99904 : i32
          %dma_wait3A_228 = arith.constant 0 : i32
          %dma_wait3A_229 = tpu.memref_slice %arg6[%dma_wait3A_227, %dma_wait3A_228] : memref<100000x64xf32, #tpu.memory_space<hbm>> -> memref<96x64xf32, #tpu.memory_space<hbm>>
          %dma_wait3A_230 = arith.constant 0 : i32
          %dma_wait3A_231 = arith.constant 0 : i32
          %dma_wait3A_232 = tpu.memref_slice %arg14[%dma_wait3A_230, %dma_wait3A_231] : memref<112x64xf32, #tpu.memory_space<vmem>> -> memref<96x64xf32, #tpu.memory_space<vmem>>
          tpu.wait_dma2 semaphore(%run_scoped3A : memref<!tpu.dma_semaphore, #tpu.memory_space<semaphore_mem>>) src(%dma_wait3A_232 : memref<96x64xf32, #tpu.memory_space<vmem>>) dst(%dma_wait3A_229 : memref<96x64xf32, #tpu.memory_space<hbm>>)
          tpu.yield
        }) : () -> ()
        "tpu.region"() ({
          %run_scoped3A = tpu.sem_alloc : memref<!tpu.dma_semaphore, #tpu.memory_space<semaphore_mem>>
          %dma_start3A_209 = arith.constant 0 : i32
          %dma_start3A_210 = arith.constant 0 : i32
          %dma_start3A_211 = tpu.memref_slice %arg18[%dma_start3A_209, %dma_start3A_210] : memref<112x64xf32, #tpu.memory_space<vmem>> -> memref<96x64xf32, #tpu.memory_space<vmem>>
          %dma_start3A_212 = arith.constant 99904 : i32
          %dma_start3A_213 = arith.constant 0 : i32
          %dma_start3A_214 = tpu.memref_slice %arg7[%dma_start3A_212, %dma_start3A_213] : memref<100000x64xf32, #tpu.memory_space<hbm>> -> memref<96x64xf32, #tpu.memory_space<hbm>>
          %dma_start3A_215 = arith.constant 99904 : i32
          %dma_start3A_216 = arith.constant 0 : i32
          %dma_start3A_217 = tpu.memref_slice %arg7[%dma_start3A_215, %dma_start3A_216] : memref<100000x64xf32, #tpu.memory_space<hbm>> -> memref<96x64xf32, #tpu.memory_space<hbm>>
          %dma_start3A_218 = arith.constant 0 : i32
          %dma_start3A_219 = arith.constant 0 : i32
          %dma_start3A_220 = tpu.memref_slice %arg18[%dma_start3A_218, %dma_start3A_219] : memref<112x64xf32, #tpu.memory_space<vmem>> -> memref<96x64xf32, #tpu.memory_space<vmem>>
          tpu.enqueue_dma source(%dma_start3A_220 : memref<96x64xf32, #tpu.memory_space<vmem>>) target(%dma_start3A_217 : memref<96x64xf32, #tpu.memory_space<hbm>>) target_semaphore(%run_scoped3A : memref<!tpu.dma_semaphore, #tpu.memory_space<semaphore_mem>>)
          %dma_wait3A_221 = arith.constant 0 : i32
          %dma_wait3A_222 = arith.constant 0 : i32
          %dma_wait3A_223 = tpu.memref_slice %arg18[%dma_wait3A_221, %dma_wait3A_222] : memref<112x64xf32, #tpu.memory_space<vmem>> -> memref<96x64xf32, #tpu.memory_space<vmem>>
          %dma_wait3A_224 = arith.constant 99904 : i32
          %dma_wait3A_225 = arith.constant 0 : i32
          %dma_wait3A_226 = tpu.memref_slice %arg7[%dma_wait3A_224, %dma_wait3A_225] : memref<100000x64xf32, #tpu.memory_space<hbm>> -> memref<96x64xf32, #tpu.memory_space<hbm>>
          %dma_wait3A_227 = arith.constant 99904 : i32
          %dma_wait3A_228 = arith.constant 0 : i32
          %dma_wait3A_229 = tpu.memref_slice %arg7[%dma_wait3A_227, %dma_wait3A_228] : memref<100000x64xf32, #tpu.memory_space<hbm>> -> memref<96x64xf32, #tpu.memory_space<hbm>>
          %dma_wait3A_230 = arith.constant 0 : i32
          %dma_wait3A_231 = arith.constant 0 : i32
          %dma_wait3A_232 = tpu.memref_slice %arg18[%dma_wait3A_230, %dma_wait3A_231] : memref<112x64xf32, #tpu.memory_space<vmem>> -> memref<96x64xf32, #tpu.memory_space<vmem>>
          tpu.wait_dma2 semaphore(%run_scoped3A : memref<!tpu.dma_semaphore, #tpu.memory_space<semaphore_mem>>) src(%dma_wait3A_232 : memref<96x64xf32, #tpu.memory_space<vmem>>) dst(%dma_wait3A_229 : memref<96x64xf32, #tpu.memory_space<hbm>>)
          tpu.yield
        }) : () -> ()
      } else {
      }
      %lt3A_163 = arith.constant 6 : i32
      %lt3A_164 = arith.cmpi slt, %scan3A_49, %lt3A_163 : i32
      %convert_element_type3A_165 = arith.extui %lt3A_164 : i1 to i32
      %cond3A_166 = arith.constant 0 : i32
      %cond3A_167 = arith.cmpi ne, %convert_element_type3A_165, %cond3A_166 : i32
      scf.if %cond3A_167 {
        %add3A_209 = arith.constant 4 : i32
        %add3A_210 = arith.addi %add3A_130, %add3A_209 : i32
        %mul3A_211 = arith.constant 112 : i32
        %mul3A_212 = arith.muli %add3A_210, %mul3A_211 : i32
        %dma_start3A_213 = tpu.memref_slice %arg8[%mul3A_212] : memref<3136xi32, #tpu.memory_space<vmem>> -> memref<112xi32, #tpu.memory_space<vmem>>
        %dma_start3A_214 = arith.constant 0 : i32
        %dma_start3A_215 = arith.constant 0 : i32
        %dma_start3A_216 = tpu.memref_slice %arg10[%dma_start3A_214, %dma_start3A_215] : memref<1024x64xf32, #tpu.memory_space<vmem_shared>> -> memref<1024x64xf32, #tpu.memory_space<vmem_shared>>
        tpu.enqueue_indirect_dma source(%dma_start3A_216 : memref<1024x64xf32, #tpu.memory_space<vmem_shared>>) target(%arg14 : memref<112x64xf32, #tpu.memory_space<vmem>>) offsets(%dma_start3A_213 : memref<112xi32, #tpu.memory_space<vmem>>) semaphore(%arg22 : memref<!tpu.dma_semaphore, #tpu.memory_space<semaphore_mem>>)
        %dma_start3A_217 = tpu.memref_slice %arg9[%mul3A_212] : memref<3136xi32, #tpu.memory_space<vmem>> -> memref<112xi32, #tpu.memory_space<vmem>>
        %dma_start3A_218 = arith.constant 0 : i32
        %dma_start3A_219 = arith.constant 0 : i32
        %dma_start3A_220 = tpu.memref_slice %arg11[%dma_start3A_218, %dma_start3A_219] : memref<1024x64xf32, #tpu.memory_space<vmem_shared>> -> memref<1024x64xf32, #tpu.memory_space<vmem_shared>>
        tpu.enqueue_indirect_dma source(%dma_start3A_220 : memref<1024x64xf32, #tpu.memory_space<vmem_shared>>) target(%arg18 : memref<112x64xf32, #tpu.memory_space<vmem>>) offsets(%dma_start3A_217 : memref<112xi32, #tpu.memory_space<vmem>>) semaphore(%arg26 : memref<!tpu.dma_semaphore, #tpu.memory_space<semaphore_mem>>)
      } else {
      }
      %mul3A_168 = arith.constant 4 : i32
      %mul3A_169 = arith.muli %scan3A_49, %mul3A_168 : i32
      %add3A_170 = arith.constant 3 : i32
      %add3A_171 = arith.addi %mul3A_169, %add3A_170 : i32
      %dma_wait3A_172 = arith.constant 0 : i32
      %dma_wait3A_173 = arith.constant 0 : i32
      %dma_wait3A_174 = tpu.memref_slice %arg2[%dma_wait3A_172, %dma_wait3A_173] : memref<1024x64xf32, #tpu.memory_space<hbm>> -> memref<112x64xf32, #tpu.memory_space<hbm>>
      %dma_wait3A_175 = arith.constant 0 : i32
      %dma_wait3A_176 = arith.constant 0 : i32
      %dma_wait3A_177 = tpu.memref_slice %arg2[%dma_wait3A_175, %dma_wait3A_176] : memref<1024x64xf32, #tpu.memory_space<hbm>> -> memref<112x64xf32, #tpu.memory_space<hbm>>
      tpu.wait_dma2 semaphore(%arg23 : memref<!tpu.dma_semaphore, #tpu.memory_space<semaphore_mem>>) src(%dma_wait3A_177 : memref<112x64xf32, #tpu.memory_space<hbm>>) dst(%arg15 : memref<112x64xf32, #tpu.memory_space<vmem>>)
      %dma_wait3A_178 = arith.constant 0 : i32
      %dma_wait3A_179 = arith.constant 0 : i32
      %dma_wait3A_180 = tpu.memref_slice %arg3[%dma_wait3A_178, %dma_wait3A_179] : memref<1024x64xf32, #tpu.memory_space<hbm>> -> memref<112x64xf32, #tpu.memory_space<hbm>>
      %dma_wait3A_181 = arith.constant 0 : i32
      %dma_wait3A_182 = arith.constant 0 : i32
      %dma_wait3A_183 = tpu.memref_slice %arg3[%dma_wait3A_181, %dma_wait3A_182] : memref<1024x64xf32, #tpu.memory_space<hbm>> -> memref<112x64xf32, #tpu.memory_space<hbm>>
      tpu.wait_dma2 semaphore(%arg27 : memref<!tpu.dma_semaphore, #tpu.memory_space<semaphore_mem>>) src(%dma_wait3A_183 : memref<112x64xf32, #tpu.memory_space<hbm>>) dst(%arg19 : memref<112x64xf32, #tpu.memory_space<vmem>>)
      %mul3A_184 = arith.constant 112 : i32
      %mul3A_185 = arith.muli %add3A_171, %mul3A_184 : i32
      %add3A_186 = arith.addi %mul3A_2, %mul3A_185 : i32
      %add3A_187 = arith.constant 112 : i32
      %add3A_188 = arith.addi %add3A_186, %add3A_187 : i32
      %le3A_189 = arith.constant 100000 : i32
      %le3A_190 = arith.cmpi sle, %add3A_188, %le3A_189 : i32
      %convert_element_type3A_191 = arith.extui %le3A_190 : i1 to i32
      %cond3A_192 = arith.constant 0 : i32
      %cond3A_193 = arith.cmpi ne, %convert_element_type3A_191, %cond3A_192 : i32
      scf.if %cond3A_193 {
        "tpu.region"() ({
          %run_scoped3A = tpu.sem_alloc : memref<!tpu.dma_semaphore, #tpu.memory_space<semaphore_mem>>
          %dma_start3A_209 = arith.constant 0 : i32
          %dma_start3A_210 = tpu.memref_slice %arg6[%add3A_186, %dma_start3A_209] : memref<100000x64xf32, #tpu.memory_space<hbm>> -> memref<112x64xf32, #tpu.memory_space<hbm>>
          %dma_start3A_211 = arith.constant 0 : i32
          %dma_start3A_212 = tpu.memref_slice %arg6[%add3A_186, %dma_start3A_211] : memref<100000x64xf32, #tpu.memory_space<hbm>> -> memref<112x64xf32, #tpu.memory_space<hbm>>
          tpu.enqueue_dma source(%arg15 : memref<112x64xf32, #tpu.memory_space<vmem>>) target(%dma_start3A_212 : memref<112x64xf32, #tpu.memory_space<hbm>>) target_semaphore(%run_scoped3A : memref<!tpu.dma_semaphore, #tpu.memory_space<semaphore_mem>>)
          %dma_wait3A_213 = arith.constant 0 : i32
          %dma_wait3A_214 = tpu.memref_slice %arg6[%add3A_186, %dma_wait3A_213] : memref<100000x64xf32, #tpu.memory_space<hbm>> -> memref<112x64xf32, #tpu.memory_space<hbm>>
          %dma_wait3A_215 = arith.constant 0 : i32
          %dma_wait3A_216 = tpu.memref_slice %arg6[%add3A_186, %dma_wait3A_215] : memref<100000x64xf32, #tpu.memory_space<hbm>> -> memref<112x64xf32, #tpu.memory_space<hbm>>
          tpu.wait_dma2 semaphore(%run_scoped3A : memref<!tpu.dma_semaphore, #tpu.memory_space<semaphore_mem>>) src(%arg15 : memref<112x64xf32, #tpu.memory_space<vmem>>) dst(%dma_wait3A_216 : memref<112x64xf32, #tpu.memory_space<hbm>>)
          tpu.yield
        }) : () -> ()
        "tpu.region"() ({
          %run_scoped3A = tpu.sem_alloc : memref<!tpu.dma_semaphore, #tpu.memory_space<semaphore_mem>>
          %dma_start3A_209 = arith.constant 0 : i32
          %dma_start3A_210 = tpu.memref_slice %arg7[%add3A_186, %dma_start3A_209] : memref<100000x64xf32, #tpu.memory_space<hbm>> -> memref<112x64xf32, #tpu.memory_space<hbm>>
          %dma_start3A_211 = arith.constant 0 : i32
          %dma_start3A_212 = tpu.memref_slice %arg7[%add3A_186, %dma_start3A_211] : memref<100000x64xf32, #tpu.memory_space<hbm>> -> memref<112x64xf32, #tpu.memory_space<hbm>>
          tpu.enqueue_dma source(%arg19 : memref<112x64xf32, #tpu.memory_space<vmem>>) target(%dma_start3A_212 : memref<112x64xf32, #tpu.memory_space<hbm>>) target_semaphore(%run_scoped3A : memref<!tpu.dma_semaphore, #tpu.memory_space<semaphore_mem>>)
          %dma_wait3A_213 = arith.constant 0 : i32
          %dma_wait3A_214 = tpu.memref_slice %arg7[%add3A_186, %dma_wait3A_213] : memref<100000x64xf32, #tpu.memory_space<hbm>> -> memref<112x64xf32, #tpu.memory_space<hbm>>
          %dma_wait3A_215 = arith.constant 0 : i32
          %dma_wait3A_216 = tpu.memref_slice %arg7[%add3A_186, %dma_wait3A_215] : memref<100000x64xf32, #tpu.memory_space<hbm>> -> memref<112x64xf32, #tpu.memory_space<hbm>>
          tpu.wait_dma2 semaphore(%run_scoped3A : memref<!tpu.dma_semaphore, #tpu.memory_space<semaphore_mem>>) src(%arg19 : memref<112x64xf32, #tpu.memory_space<vmem>>) dst(%dma_wait3A_216 : memref<112x64xf32, #tpu.memory_space<hbm>>)
          tpu.yield
        }) : () -> ()
      } else {
      }
      %lt3A_194 = arith.constant 100000 : i32
      %lt3A_195 = arith.cmpi slt, %add3A_186, %lt3A_194 : i32
      %add3A_196 = arith.constant 112 : i32
      %add3A_197 = arith.addi %add3A_186, %add3A_196 : i32
      %gt3A_198 = arith.constant 100000 : i32
      %gt3A_199 = arith.cmpi sgt, %add3A_197, %gt3A_198 : i32
      %and3A_200 = arith.andi %lt3A_195, %gt3A_199 : i1
      %convert_element_type3A_201 = arith.extui %and3A_200 : i1 to i32
      %cond3A_202 = arith.constant 0 : i32
      %cond3A_203 = arith.cmpi ne, %convert_element_type3A_201, %cond3A_202 : i32
      scf.if %cond3A_203 {
        "tpu.region"() ({
          %run_scoped3A = tpu.sem_alloc : memref<!tpu.dma_semaphore, #tpu.memory_space<semaphore_mem>>
          %dma_start3A_209 = arith.constant 0 : i32
          %dma_start3A_210 = arith.constant 0 : i32
          %dma_start3A_211 = tpu.memref_slice %arg15[%dma_start3A_209, %dma_start3A_210] : memref<112x64xf32, #tpu.memory_space<vmem>> -> memref<96x64xf32, #tpu.memory_space<vmem>>
          %dma_start3A_212 = arith.constant 99904 : i32
          %dma_start3A_213 = arith.constant 0 : i32
          %dma_start3A_214 = tpu.memref_slice %arg6[%dma_start3A_212, %dma_start3A_213] : memref<100000x64xf32, #tpu.memory_space<hbm>> -> memref<96x64xf32, #tpu.memory_space<hbm>>
          %dma_start3A_215 = arith.constant 99904 : i32
          %dma_start3A_216 = arith.constant 0 : i32
          %dma_start3A_217 = tpu.memref_slice %arg6[%dma_start3A_215, %dma_start3A_216] : memref<100000x64xf32, #tpu.memory_space<hbm>> -> memref<96x64xf32, #tpu.memory_space<hbm>>
          %dma_start3A_218 = arith.constant 0 : i32
          %dma_start3A_219 = arith.constant 0 : i32
          %dma_start3A_220 = tpu.memref_slice %arg15[%dma_start3A_218, %dma_start3A_219] : memref<112x64xf32, #tpu.memory_space<vmem>> -> memref<96x64xf32, #tpu.memory_space<vmem>>
          tpu.enqueue_dma source(%dma_start3A_220 : memref<96x64xf32, #tpu.memory_space<vmem>>) target(%dma_start3A_217 : memref<96x64xf32, #tpu.memory_space<hbm>>) target_semaphore(%run_scoped3A : memref<!tpu.dma_semaphore, #tpu.memory_space<semaphore_mem>>)
          %dma_wait3A_221 = arith.constant 0 : i32
          %dma_wait3A_222 = arith.constant 0 : i32
          %dma_wait3A_223 = tpu.memref_slice %arg15[%dma_wait3A_221, %dma_wait3A_222] : memref<112x64xf32, #tpu.memory_space<vmem>> -> memref<96x64xf32, #tpu.memory_space<vmem>>
          %dma_wait3A_224 = arith.constant 99904 : i32
          %dma_wait3A_225 = arith.constant 0 : i32
          %dma_wait3A_226 = tpu.memref_slice %arg6[%dma_wait3A_224, %dma_wait3A_225] : memref<100000x64xf32, #tpu.memory_space<hbm>> -> memref<96x64xf32, #tpu.memory_space<hbm>>
          %dma_wait3A_227 = arith.constant 99904 : i32
          %dma_wait3A_228 = arith.constant 0 : i32
          %dma_wait3A_229 = tpu.memref_slice %arg6[%dma_wait3A_227, %dma_wait3A_228] : memref<100000x64xf32, #tpu.memory_space<hbm>> -> memref<96x64xf32, #tpu.memory_space<hbm>>
          %dma_wait3A_230 = arith.constant 0 : i32
          %dma_wait3A_231 = arith.constant 0 : i32
          %dma_wait3A_232 = tpu.memref_slice %arg15[%dma_wait3A_230, %dma_wait3A_231] : memref<112x64xf32, #tpu.memory_space<vmem>> -> memref<96x64xf32, #tpu.memory_space<vmem>>
          tpu.wait_dma2 semaphore(%run_scoped3A : memref<!tpu.dma_semaphore, #tpu.memory_space<semaphore_mem>>) src(%dma_wait3A_232 : memref<96x64xf32, #tpu.memory_space<vmem>>) dst(%dma_wait3A_229 : memref<96x64xf32, #tpu.memory_space<hbm>>)
          tpu.yield
        }) : () -> ()
        "tpu.region"() ({
          %run_scoped3A = tpu.sem_alloc : memref<!tpu.dma_semaphore, #tpu.memory_space<semaphore_mem>>
          %dma_start3A_209 = arith.constant 0 : i32
          %dma_start3A_210 = arith.constant 0 : i32
          %dma_start3A_211 = tpu.memref_slice %arg19[%dma_start3A_209, %dma_start3A_210] : memref<112x64xf32, #tpu.memory_space<vmem>> -> memref<96x64xf32, #tpu.memory_space<vmem>>
          %dma_start3A_212 = arith.constant 99904 : i32
          %dma_start3A_213 = arith.constant 0 : i32
          %dma_start3A_214 = tpu.memref_slice %arg7[%dma_start3A_212, %dma_start3A_213] : memref<100000x64xf32, #tpu.memory_space<hbm>> -> memref<96x64xf32, #tpu.memory_space<hbm>>
          %dma_start3A_215 = arith.constant 99904 : i32
          %dma_start3A_216 = arith.constant 0 : i32
          %dma_start3A_217 = tpu.memref_slice %arg7[%dma_start3A_215, %dma_start3A_216] : memref<100000x64xf32, #tpu.memory_space<hbm>> -> memref<96x64xf32, #tpu.memory_space<hbm>>
          %dma_start3A_218 = arith.constant 0 : i32
          %dma_start3A_219 = arith.constant 0 : i32
          %dma_start3A_220 = tpu.memref_slice %arg19[%dma_start3A_218, %dma_start3A_219] : memref<112x64xf32, #tpu.memory_space<vmem>> -> memref<96x64xf32, #tpu.memory_space<vmem>>
          tpu.enqueue_dma source(%dma_start3A_220 : memref<96x64xf32, #tpu.memory_space<vmem>>) target(%dma_start3A_217 : memref<96x64xf32, #tpu.memory_space<hbm>>) target_semaphore(%run_scoped3A : memref<!tpu.dma_semaphore, #tpu.memory_space<semaphore_mem>>)
          %dma_wait3A_221 = arith.constant 0 : i32
          %dma_wait3A_222 = arith.constant 0 : i32
          %dma_wait3A_223 = tpu.memref_slice %arg19[%dma_wait3A_221, %dma_wait3A_222] : memref<112x64xf32, #tpu.memory_space<vmem>> -> memref<96x64xf32, #tpu.memory_space<vmem>>
          %dma_wait3A_224 = arith.constant 99904 : i32
          %dma_wait3A_225 = arith.constant 0 : i32
          %dma_wait3A_226 = tpu.memref_slice %arg7[%dma_wait3A_224, %dma_wait3A_225] : memref<100000x64xf32, #tpu.memory_space<hbm>> -> memref<96x64xf32, #tpu.memory_space<hbm>>
          %dma_wait3A_227 = arith.constant 99904 : i32
          %dma_wait3A_228 = arith.constant 0 : i32
          %dma_wait3A_229 = tpu.memref_slice %arg7[%dma_wait3A_227, %dma_wait3A_228] : memref<100000x64xf32, #tpu.memory_space<hbm>> -> memref<96x64xf32, #tpu.memory_space<hbm>>
          %dma_wait3A_230 = arith.constant 0 : i32
          %dma_wait3A_231 = arith.constant 0 : i32
          %dma_wait3A_232 = tpu.memref_slice %arg19[%dma_wait3A_230, %dma_wait3A_231] : memref<112x64xf32, #tpu.memory_space<vmem>> -> memref<96x64xf32, #tpu.memory_space<vmem>>
          tpu.wait_dma2 semaphore(%run_scoped3A : memref<!tpu.dma_semaphore, #tpu.memory_space<semaphore_mem>>) src(%dma_wait3A_232 : memref<96x64xf32, #tpu.memory_space<vmem>>) dst(%dma_wait3A_229 : memref<96x64xf32, #tpu.memory_space<hbm>>)
          tpu.yield
        }) : () -> ()
      } else {
      }
      %lt3A_204 = arith.constant 6 : i32
      %lt3A_205 = arith.cmpi slt, %scan3A_49, %lt3A_204 : i32
      %convert_element_type3A_206 = arith.extui %lt3A_205 : i1 to i32
      %cond3A_207 = arith.constant 0 : i32
      %cond3A_208 = arith.cmpi ne, %convert_element_type3A_206, %cond3A_207 : i32
      scf.if %cond3A_208 {
        %add3A_209 = arith.constant 4 : i32
        %add3A_210 = arith.addi %add3A_171, %add3A_209 : i32
        %mul3A_211 = arith.constant 112 : i32
        %mul3A_212 = arith.muli %add3A_210, %mul3A_211 : i32
        %dma_start3A_213 = tpu.memref_slice %arg8[%mul3A_212] : memref<3136xi32, #tpu.memory_space<vmem>> -> memref<112xi32, #tpu.memory_space<vmem>>
        %dma_start3A_214 = arith.constant 0 : i32
        %dma_start3A_215 = arith.constant 0 : i32
        %dma_start3A_216 = tpu.memref_slice %arg10[%dma_start3A_214, %dma_start3A_215] : memref<1024x64xf32, #tpu.memory_space<vmem_shared>> -> memref<1024x64xf32, #tpu.memory_space<vmem_shared>>
        tpu.enqueue_indirect_dma source(%dma_start3A_216 : memref<1024x64xf32, #tpu.memory_space<vmem_shared>>) target(%arg15 : memref<112x64xf32, #tpu.memory_space<vmem>>) offsets(%dma_start3A_213 : memref<112xi32, #tpu.memory_space<vmem>>) semaphore(%arg23 : memref<!tpu.dma_semaphore, #tpu.memory_space<semaphore_mem>>)
        %dma_start3A_217 = tpu.memref_slice %arg9[%mul3A_212] : memref<3136xi32, #tpu.memory_space<vmem>> -> memref<112xi32, #tpu.memory_space<vmem>>
        %dma_start3A_218 = arith.constant 0 : i32
        %dma_start3A_219 = arith.constant 0 : i32
        %dma_start3A_220 = tpu.memref_slice %arg11[%dma_start3A_218, %dma_start3A_219] : memref<1024x64xf32, #tpu.memory_space<vmem_shared>> -> memref<1024x64xf32, #tpu.memory_space<vmem_shared>>
        tpu.enqueue_indirect_dma source(%dma_start3A_220 : memref<1024x64xf32, #tpu.memory_space<vmem_shared>>) target(%arg19 : memref<112x64xf32, #tpu.memory_space<vmem>>) offsets(%dma_start3A_217 : memref<112xi32, #tpu.memory_space<vmem>>) semaphore(%arg27 : memref<!tpu.dma_semaphore, #tpu.memory_space<semaphore_mem>>)
      } else {
      }
    }
    %scan3A_48 = arith.constant 7 : i32
    return
  }
}

module attributes {stable_mosaic.version = 14 : i64} {
  func.func @_tc_body(%arg0: i32, %arg1: memref<1024x128xf32, #tpu.memory_space<vmem>>, %arg2: memref<1024x128xf32, #tpu.memory_space<vmem>>, %arg3: memref<128x64xf32, #tpu.memory_space<vmem>>, %arg4: memref<1x64xf32, #tpu.memory_space<vmem>>, %arg5: memref<64x64xf32, #tpu.memory_space<vmem>>, %arg6: memref<1x64xf32, #tpu.memory_space<vmem>>, %arg7: memref<1024x64xf32, #tpu.memory_space<vmem>>, %arg8: memref<64x1024xf32, #tpu.memory_space<vmem>>, %arg9: memref<128x64xf32, #tpu.memory_space<vmem>>, %arg10: memref<1x64xf32, #tpu.memory_space<vmem>>, %arg11: memref<1x8x128xi32, #tpu.memory_space<vmem>>, %arg12: memref<1x8x128xi32, #tpu.memory_space<vmem>>, %arg13: memref<1024x64xf32, #tpu.memory_space<vmem>>, %arg14: memref<1x1xf32, #tpu.memory_space<vmem>>, %arg15: memref<1x1024xf32, #tpu.memory_space<vmem>>, %arg16: memref<1x1024xf32, #tpu.memory_space<vmem>>) attributes {dimension_semantics = [#tpu.dimension_semantics<arbitrary>], iteration_bounds = array<i64: 98>, scalar_prefetch = 0 : i64, scratch_operands = 2 : i64, tpu.core_type = #tpu.core_type<tc>, window_params = [{transform_indices = @transform_0, window_bounds = array<i64: 1024, 128>}, {transform_indices = @transform_1, window_bounds = array<i64: 1024, 128>}, {pipeline_mode = #tpu.pipeline_mode<synchronous>, transform_indices = @transform_2, window_bounds = array<i64: 128, 64>}, {pipeline_mode = #tpu.pipeline_mode<synchronous>, transform_indices = @transform_3, window_bounds = array<i64: 1, 64>}, {pipeline_mode = #tpu.pipeline_mode<synchronous>, transform_indices = @transform_4, window_bounds = array<i64: 64, 64>}, {pipeline_mode = #tpu.pipeline_mode<synchronous>, transform_indices = @transform_5, window_bounds = array<i64: 1, 64>}, {pipeline_mode = #tpu.pipeline_mode<synchronous>, transform_indices = @transform_6, window_bounds = array<i64: 1024, 64>}, {pipeline_mode = #tpu.pipeline_mode<synchronous>, transform_indices = @transform_7, window_bounds = array<i64: 64, 1024>}, {pipeline_mode = #tpu.pipeline_mode<synchronous>, transform_indices = @transform_8, window_bounds = array<i64: 128, 64>}, {pipeline_mode = #tpu.pipeline_mode<synchronous>, transform_indices = @transform_9, window_bounds = array<i64: 1, 64>}, {transform_indices = @transform_10, window_bounds = array<i64: 1, 8, 128>}, {transform_indices = @transform_11, window_bounds = array<i64: 1, 8, 128>}, {pipeline_mode = #tpu.pipeline_mode<synchronous>, transform_indices = @transform_12, window_bounds = array<i64: 1024, 64>}, {pipeline_mode = #tpu.pipeline_mode<synchronous>, transform_indices = @transform_13, window_bounds = array<i64: 1, 1>}]} {
    %get3A = arith.constant 0 : index
    %get3A_0 = arith.constant 0 : index
    %get3A_1 = vector.load %arg8[%get3A, %get3A_0] : memref<64x1024xf32, #tpu.memory_space<vmem>>, vector<64x1024xf32>
    %eq3A = arith.constant 0 : i32
    %eq3A_2 = arith.cmpi eq, %arg0, %eq3A : i32
    %convert_element_type3A = arith.extui %eq3A_2 : i1 to i32
    %cond3A = arith.constant 0 : i32
    %cond3A_3 = arith.cmpi ne, %convert_element_type3A, %cond3A : i32
    scf.if %cond3A_3 {
      %get3A_205 = arith.constant 0 : index
      %get3A_206 = arith.constant 0 : index
      %get3A_207 = vector.load %arg7[%get3A_205, %get3A_206] : memref<1024x64xf32, #tpu.memory_space<vmem>>, vector<1024x64xf32>
      %get3A_208 = arith.constant 0 : index
      %get3A_209 = arith.constant 0 : index
      %get3A_210 = vector.load %arg5[%get3A_208, %get3A_209] : memref<64x64xf32, #tpu.memory_space<vmem>>, vector<64x64xf32>
      %dot_general3A_211 = arith.constant dense<0.000000e+00> : vector<1024x64xf32>
      %dot_general3A_212 = tpu.matmul %get3A_207, %get3A_210, %dot_general3A_211 {dimension_numbers = #tpu.dot_dimension_numbers<[1], [0], [0], [1], [0, 0, 1, 1], [], []>, transpose_lhs_hint = false} : vector<1024x64xf32>, vector<64x64xf32>, vector<1024x64xf32> -> vector<1024x64xf32>
      %get3A_213 = arith.constant 0 : index
      %get3A_214 = arith.constant 0 : index
      %get3A_215 = vector.load %arg6[%get3A_213, %get3A_214] : memref<1x64xf32, #tpu.memory_space<vmem>>, vector<1x64xf32>
      %add3A_216 = vector.broadcast %get3A_215 : vector<1x64xf32> to vector<1024x64xf32>
      %add3A_217 = arith.addf %dot_general3A_212, %add3A_216 : vector<1024x64xf32>
      %swap3A_218 = arith.constant 0 : index
      %swap3A_219 = arith.constant 0 : index
      %swap3A_220 = vector.load %arg13[%swap3A_218, %swap3A_219] : memref<1024x64xf32, #tpu.memory_space<vmem>>, vector<1024x64xf32>
      tpu.vector_store %arg13[%swap3A_218, %swap3A_219], %add3A_217 {strides = array<i32>} : memref<1024x64xf32, #tpu.memory_space<vmem>>, vector<1024x64xf32>,
      %broadcast_in_dim3A_221 = arith.constant 0.000000e+00 : f32
      %broadcast_in_dim3A_222 = vector.broadcast %broadcast_in_dim3A_221 : f32 to vector<1x1xf32>
      %swap3A_223 = arith.constant 0 : index
      %swap3A_224 = arith.constant 0 : index
      %swap3A_225 = vector.load %arg14[%swap3A_223, %swap3A_224] : memref<1x1xf32, #tpu.memory_space<vmem>>, vector<1x1xf32>
      tpu.vector_store %arg14[%swap3A_223, %swap3A_224], %broadcast_in_dim3A_222 {strides = array<i32>} : memref<1x1xf32, #tpu.memory_space<vmem>>, vector<1x1xf32>,
      %mul3A_226 = arith.mulf %get3A_1, %get3A_1 : vector<64x1024xf32>
      %reduce_sum3A_227 = arith.constant dense<0.000000e+00> : vector<1024xf32>
      %reduce_sum3A_228 = vector.multi_reduction <add>, %mul3A_226, %reduce_sum3A_227 [0] : vector<64x1024xf32> to vector<1024xf32>
      %broadcast_in_dim3A_229 = vector.shape_cast %reduce_sum3A_228 : vector<1024xf32> to vector<1x1024xf32>
      %mul3A_230 = arith.constant 5.000000e-01 : f32
      %mul3A_231 = vector.broadcast %mul3A_230 : f32 to vector<1x1024xf32>
      %mul3A_232 = arith.mulf %mul3A_231, %broadcast_in_dim3A_229 : vector<1x1024xf32>
      %swap3A_233 = arith.constant 0 : index
      %swap3A_234 = arith.constant 0 : index
      %swap3A_235 = vector.load %arg15[%swap3A_233, %swap3A_234] : memref<1x1024xf32, #tpu.memory_space<vmem>>, vector<1x1024xf32>
      tpu.vector_store %arg15[%swap3A_233, %swap3A_234], %mul3A_232 {strides = array<i32>} : memref<1x1024xf32, #tpu.memory_space<vmem>>, vector<1x1024xf32>,
      %iota3A_236 = tpu.iota {dimensions = array<i32: 1>} : vector<1x1024xi32>
      %convert_element_type3A_237 = arith.sitofp %iota3A_236 : vector<1x1024xi32> to vector<1x1024xf32>
      %swap3A_238 = arith.constant 0 : index
      %swap3A_239 = arith.constant 0 : index
      %swap3A_240 = vector.load %arg16[%swap3A_238, %swap3A_239] : memref<1x1024xf32, #tpu.memory_space<vmem>>, vector<1x1024xf32>
      tpu.vector_store %arg16[%swap3A_238, %swap3A_239], %convert_element_type3A_237 {strides = array<i32>} : memref<1x1024xf32, #tpu.memory_space<vmem>>, vector<1x1024xf32>,
    } else {
    }
    %get3A_4 = arith.constant 0 : index
    %get3A_5 = arith.constant 0 : index
    %get3A_6 = vector.load %arg15[%get3A_4, %get3A_5] : memref<1x1024xf32, #tpu.memory_space<vmem>>, vector<1x1024xf32>
    %get3A_7 = arith.constant 0 : index
    %get3A_8 = arith.constant 0 : index
    %get3A_9 = vector.load %arg1[%get3A_7, %get3A_8] : memref<1024x128xf32, #tpu.memory_space<vmem>>, vector<1024x128xf32>
    %get3A_10 = arith.constant 0 : index
    %get3A_11 = arith.constant 0 : index
    %get3A_12 = vector.load %arg3[%get3A_10, %get3A_11] : memref<128x64xf32, #tpu.memory_space<vmem>>, vector<128x64xf32>
    %dot_general3A = arith.constant dense<0.000000e+00> : vector<1024x64xf32>
    %dot_general3A_13 = tpu.matmul %get3A_9, %get3A_12, %dot_general3A {dimension_numbers = #tpu.dot_dimension_numbers<[1], [0], [0], [1], [0, 0, 1, 1], [], []>, transpose_lhs_hint = false} : vector<1024x128xf32>, vector<128x64xf32>, vector<1024x64xf32> -> vector<1024x64xf32>
    %get3A_14 = arith.constant 0 : index
    %get3A_15 = arith.constant 0 : index
    %get3A_16 = vector.load %arg4[%get3A_14, %get3A_15] : memref<1x64xf32, #tpu.memory_space<vmem>>, vector<1x64xf32>
    %add3A = vector.broadcast %get3A_16 : vector<1x64xf32> to vector<1024x64xf32>
    %add3A_17 = arith.addf %dot_general3A_13, %add3A : vector<1024x64xf32>
    %dot_general3A_18 = arith.constant dense<0.000000e+00> : vector<1024x1024xf32>
    %dot_general3A_19 = tpu.matmul %add3A_17, %get3A_1, %dot_general3A_18 {dimension_numbers = #tpu.dot_dimension_numbers<[1], [0], [0], [1], [0, 0, 1, 1], [], []>, transpose_lhs_hint = false} : vector<1024x64xf32>, vector<64x1024xf32>, vector<1024x1024xf32> -> vector<1024x1024xf32>
    %sub3A = vector.broadcast %get3A_6 : vector<1x1024xf32> to vector<1024x1024xf32>
    %sub3A_20 = arith.subf %dot_general3A_19, %sub3A : vector<1024x1024xf32>
    %reduce_max3A = arith.constant dense<0xFF800000> : vector<1024xf32>
    %reduce_max3A_21 = vector.multi_reduction <maximumf>, %sub3A_20, %reduce_max3A [1] : vector<1024x1024xf32> to vector<1024xf32>
    %broadcast_in_dim3A = vector.shape_cast %reduce_max3A_21 : vector<1024xf32> to vector<1024x1xf32>
    %get3A_22 = arith.constant 0 : index
    %get3A_23 = arith.constant 0 : index
    %get3A_24 = vector.load %arg16[%get3A_22, %get3A_23] : memref<1x1024xf32, #tpu.memory_space<vmem>>, vector<1x1024xf32>
    %eq3A_25 = vector.broadcast %broadcast_in_dim3A : vector<1024x1xf32> to vector<1024x1024xf32>
    %eq3A_26 = arith.cmpf oeq, %sub3A_20, %eq3A_25 : vector<1024x1024xf32>
    %jit3A = arith.constant 1.024000e+03 : f32
    %broadcast_in_dim3A_27 = vector.shape_cast %get3A_24 : vector<1x1024xf32> to vector<1x1024xf32>
    %broadcast_in_dim3A_28 = vector.broadcast %broadcast_in_dim3A_27 : vector<1x1024xf32> to vector<1024x1024xf32>
    %broadcast_in_dim3A_29 = vector.broadcast %jit3A : f32 to vector<1024x1024xf32>
    %select_n3A = arith.select %eq3A_26, %broadcast_in_dim3A_28, %broadcast_in_dim3A_29 : vector<1024x1024xi1>, vector<1024x1024xf32>
    %reduce_min3A = arith.constant dense<0x7F800000> : vector<1024xf32>
    %reduce_min3A_30 = vector.multi_reduction <minimumf>, %select_n3A, %reduce_min3A [1] : vector<1024x1024xf32> to vector<1024xf32>
    %min3A = arith.constant 1.023000e+03 : f32
    %min3A_31 = vector.broadcast %min3A : f32 to vector<1024xf32>
    %min3A_32 = arith.minimumf %reduce_min3A_30, %min3A_31 : vector<1024xf32>
    %convert_element_type3A_33 = arith.fptosi %min3A_32 : vector<1024xf32> to vector<1024xi32>
    %mul3A = arith.mulf %add3A_17, %add3A_17 : vector<1024x64xf32>
    %reduce_sum3A = arith.constant dense<0.000000e+00> : vector<1024xf32>
    %reduce_sum3A_34 = vector.multi_reduction <add>, %mul3A, %reduce_sum3A [1] : vector<1024x64xf32> to vector<1024xf32>
    %broadcast_in_dim3A_35 = vector.shape_cast %reduce_sum3A_34 : vector<1024xf32> to vector<1024x1xf32>
    %get3A_36 = arith.constant 0 : index
    %get3A_37 = arith.constant 0 : index
    %get3A_38 = vector.load %arg2[%get3A_36, %get3A_37] : memref<1024x128xf32, #tpu.memory_space<vmem>>, vector<1024x128xf32>
    %get3A_39 = arith.constant 0 : index
    %get3A_40 = arith.constant 0 : index
    %get3A_41 = vector.load %arg9[%get3A_39, %get3A_40] : memref<128x64xf32, #tpu.memory_space<vmem>>, vector<128x64xf32>
    %dot_general3A_42 = arith.constant dense<0.000000e+00> : vector<1024x64xf32>
    %dot_general3A_43 = tpu.matmul %get3A_38, %get3A_41, %dot_general3A_42 {dimension_numbers = #tpu.dot_dimension_numbers<[1], [0], [0], [1], [0, 0, 1, 1], [], []>, transpose_lhs_hint = false} : vector<1024x128xf32>, vector<128x64xf32>, vector<1024x64xf32> -> vector<1024x64xf32>
    %get3A_44 = arith.constant 0 : index
    %get3A_45 = arith.constant 0 : index
    %get3A_46 = vector.load %arg10[%get3A_44, %get3A_45] : memref<1x64xf32, #tpu.memory_space<vmem>>, vector<1x64xf32>
    %add3A_47 = vector.broadcast %get3A_46 : vector<1x64xf32> to vector<1024x64xf32>
    %add3A_48 = arith.addf %dot_general3A_43, %add3A_47 : vector<1024x64xf32>
    %dot_general3A_49 = arith.constant dense<0.000000e+00> : vector<1024x1024xf32>
    %dot_general3A_50 = tpu.matmul %add3A_48, %get3A_1, %dot_general3A_49 {dimension_numbers = #tpu.dot_dimension_numbers<[1], [0], [0], [1], [0, 0, 1, 1], [], []>, transpose_lhs_hint = false} : vector<1024x64xf32>, vector<64x1024xf32>, vector<1024x1024xf32> -> vector<1024x1024xf32>
    %sub3A_51 = vector.broadcast %get3A_6 : vector<1x1024xf32> to vector<1024x1024xf32>
    %sub3A_52 = arith.subf %dot_general3A_50, %sub3A_51 : vector<1024x1024xf32>
    %reduce_max3A_53 = arith.constant dense<0xFF800000> : vector<1024xf32>
    %reduce_max3A_54 = vector.multi_reduction <maximumf>, %sub3A_52, %reduce_max3A_53 [1] : vector<1024x1024xf32> to vector<1024xf32>
    %broadcast_in_dim3A_55 = vector.shape_cast %reduce_max3A_54 : vector<1024xf32> to vector<1024x1xf32>
    %eq3A_56 = vector.broadcast %broadcast_in_dim3A_55 : vector<1024x1xf32> to vector<1024x1024xf32>
    %eq3A_57 = arith.cmpf oeq, %sub3A_52, %eq3A_56 : vector<1024x1024xf32>
    %jit3A_58 = arith.constant 1.024000e+03 : f32
    %broadcast_in_dim3A_59 = vector.shape_cast %get3A_24 : vector<1x1024xf32> to vector<1x1024xf32>
    %broadcast_in_dim3A_60 = vector.broadcast %broadcast_in_dim3A_59 : vector<1x1024xf32> to vector<1024x1024xf32>
    %broadcast_in_dim3A_61 = vector.broadcast %jit3A_58 : f32 to vector<1024x1024xf32>
    %select_n3A_62 = arith.select %eq3A_57, %broadcast_in_dim3A_60, %broadcast_in_dim3A_61 : vector<1024x1024xi1>, vector<1024x1024xf32>
    %reduce_min3A_63 = arith.constant dense<0x7F800000> : vector<1024xf32>
    %reduce_min3A_64 = vector.multi_reduction <minimumf>, %select_n3A_62, %reduce_min3A_63 [1] : vector<1024x1024xf32> to vector<1024xf32>
    %min3A_65 = arith.constant 1.023000e+03 : f32
    %min3A_66 = vector.broadcast %min3A_65 : f32 to vector<1024xf32>
    %min3A_67 = arith.minimumf %reduce_min3A_64, %min3A_66 : vector<1024xf32>
    %convert_element_type3A_68 = arith.fptosi %min3A_67 : vector<1024xf32> to vector<1024xi32>
    %slice3A = vector.extract_strided_slice %convert_element_type3A_33 {offsets = [0], sizes = [128], strides = [1]} : vector<1024xi32> to vector<128xi32>
    %swap3A = arith.constant 0 : index
    %swap3A_69 = arith.constant 0 : index
    %swap3A_70 = arith.constant 0 : index
    %swap3A_71 = vector.load %arg11[%swap3A, %swap3A_69, %swap3A_70] : memref<1x8x128xi32, #tpu.memory_space<vmem>>, vector<1x1x128xi32>
    %swap3A_72 = vector.shape_cast %swap3A_71 : vector<1x1x128xi32> to vector<128xi32>
    %swap3A_73 = vector.shape_cast %slice3A : vector<128xi32> to vector<1x1x128xi32>
    tpu.vector_store %arg11[%swap3A, %swap3A_69, %swap3A_70], %swap3A_73 {strides = array<i32>} : memref<1x8x128xi32, #tpu.memory_space<vmem>>, vector<1x1x128xi32>,
    %slice3A_74 = vector.extract_strided_slice %convert_element_type3A_68 {offsets = [0], sizes = [128], strides = [1]} : vector<1024xi32> to vector<128xi32>
    %swap3A_75 = arith.constant 0 : index
    %swap3A_76 = arith.constant 0 : index
    %swap3A_77 = arith.constant 0 : index
    %swap3A_78 = vector.load %arg12[%swap3A_75, %swap3A_76, %swap3A_77] : memref<1x8x128xi32, #tpu.memory_space<vmem>>, vector<1x1x128xi32>
    %swap3A_79 = vector.shape_cast %swap3A_78 : vector<1x1x128xi32> to vector<128xi32>
    %swap3A_80 = vector.shape_cast %slice3A_74 : vector<128xi32> to vector<1x1x128xi32>
    tpu.vector_store %arg12[%swap3A_75, %swap3A_76, %swap3A_77], %swap3A_80 {strides = array<i32>} : memref<1x8x128xi32, #tpu.memory_space<vmem>>, vector<1x1x128xi32>,
    %slice3A_81 = vector.extract_strided_slice %convert_element_type3A_33 {offsets = [128], sizes = [128], strides = [1]} : vector<1024xi32> to vector<128xi32>
    %swap3A_82 = arith.constant 0 : index
    %swap3A_83 = arith.constant 1 : index
    %swap3A_84 = arith.constant 0 : index
    %swap3A_85 = vector.load %arg11[%swap3A_82, %swap3A_83, %swap3A_84] : memref<1x8x128xi32, #tpu.memory_space<vmem>>, vector<1x1x128xi32>
    %swap3A_86 = vector.shape_cast %swap3A_85 : vector<1x1x128xi32> to vector<128xi32>
    %swap3A_87 = vector.shape_cast %slice3A_81 : vector<128xi32> to vector<1x1x128xi32>
    tpu.vector_store %arg11[%swap3A_82, %swap3A_83, %swap3A_84], %swap3A_87 {strides = array<i32>} : memref<1x8x128xi32, #tpu.memory_space<vmem>>, vector<1x1x128xi32>,
    %slice3A_88 = vector.extract_strided_slice %convert_element_type3A_68 {offsets = [128], sizes = [128], strides = [1]} : vector<1024xi32> to vector<128xi32>
    %swap3A_89 = arith.constant 0 : index
    %swap3A_90 = arith.constant 1 : index
    %swap3A_91 = arith.constant 0 : index
    %swap3A_92 = vector.load %arg12[%swap3A_89, %swap3A_90, %swap3A_91] : memref<1x8x128xi32, #tpu.memory_space<vmem>>, vector<1x1x128xi32>
    %swap3A_93 = vector.shape_cast %swap3A_92 : vector<1x1x128xi32> to vector<128xi32>
    %swap3A_94 = vector.shape_cast %slice3A_88 : vector<128xi32> to vector<1x1x128xi32>
    tpu.vector_store %arg12[%swap3A_89, %swap3A_90, %swap3A_91], %swap3A_94 {strides = array<i32>} : memref<1x8x128xi32, #tpu.memory_space<vmem>>, vector<1x1x128xi32>,
    %slice3A_95 = vector.extract_strided_slice %convert_element_type3A_33 {offsets = [256], sizes = [128], strides = [1]} : vector<1024xi32> to vector<128xi32>
    %swap3A_96 = arith.constant 0 : index
    %swap3A_97 = arith.constant 2 : index
    %swap3A_98 = arith.constant 0 : index
    %swap3A_99 = vector.load %arg11[%swap3A_96, %swap3A_97, %swap3A_98] : memref<1x8x128xi32, #tpu.memory_space<vmem>>, vector<1x1x128xi32>
    %swap3A_100 = vector.shape_cast %swap3A_99 : vector<1x1x128xi32> to vector<128xi32>
    %swap3A_101 = vector.shape_cast %slice3A_95 : vector<128xi32> to vector<1x1x128xi32>
    tpu.vector_store %arg11[%swap3A_96, %swap3A_97, %swap3A_98], %swap3A_101 {strides = array<i32>} : memref<1x8x128xi32, #tpu.memory_space<vmem>>, vector<1x1x128xi32>,
    %slice3A_102 = vector.extract_strided_slice %convert_element_type3A_68 {offsets = [256], sizes = [128], strides = [1]} : vector<1024xi32> to vector<128xi32>
    %swap3A_103 = arith.constant 0 : index
    %swap3A_104 = arith.constant 2 : index
    %swap3A_105 = arith.constant 0 : index
    %swap3A_106 = vector.load %arg12[%swap3A_103, %swap3A_104, %swap3A_105] : memref<1x8x128xi32, #tpu.memory_space<vmem>>, vector<1x1x128xi32>
    %swap3A_107 = vector.shape_cast %swap3A_106 : vector<1x1x128xi32> to vector<128xi32>
    %swap3A_108 = vector.shape_cast %slice3A_102 : vector<128xi32> to vector<1x1x128xi32>
    tpu.vector_store %arg12[%swap3A_103, %swap3A_104, %swap3A_105], %swap3A_108 {strides = array<i32>} : memref<1x8x128xi32, #tpu.memory_space<vmem>>, vector<1x1x128xi32>,
    %slice3A_109 = vector.extract_strided_slice %convert_element_type3A_33 {offsets = [384], sizes = [128], strides = [1]} : vector<1024xi32> to vector<128xi32>
    %swap3A_110 = arith.constant 0 : index
    %swap3A_111 = arith.constant 3 : index
    %swap3A_112 = arith.constant 0 : index
    %swap3A_113 = vector.load %arg11[%swap3A_110, %swap3A_111, %swap3A_112] : memref<1x8x128xi32, #tpu.memory_space<vmem>>, vector<1x1x128xi32>
    %swap3A_114 = vector.shape_cast %swap3A_113 : vector<1x1x128xi32> to vector<128xi32>
    %swap3A_115 = vector.shape_cast %slice3A_109 : vector<128xi32> to vector<1x1x128xi32>
    tpu.vector_store %arg11[%swap3A_110, %swap3A_111, %swap3A_112], %swap3A_115 {strides = array<i32>} : memref<1x8x128xi32, #tpu.memory_space<vmem>>, vector<1x1x128xi32>,
    %slice3A_116 = vector.extract_strided_slice %convert_element_type3A_68 {offsets = [384], sizes = [128], strides = [1]} : vector<1024xi32> to vector<128xi32>
    %swap3A_117 = arith.constant 0 : index
    %swap3A_118 = arith.constant 3 : index
    %swap3A_119 = arith.constant 0 : index
    %swap3A_120 = vector.load %arg12[%swap3A_117, %swap3A_118, %swap3A_119] : memref<1x8x128xi32, #tpu.memory_space<vmem>>, vector<1x1x128xi32>
    %swap3A_121 = vector.shape_cast %swap3A_120 : vector<1x1x128xi32> to vector<128xi32>
    %swap3A_122 = vector.shape_cast %slice3A_116 : vector<128xi32> to vector<1x1x128xi32>
    tpu.vector_store %arg12[%swap3A_117, %swap3A_118, %swap3A_119], %swap3A_122 {strides = array<i32>} : memref<1x8x128xi32, #tpu.memory_space<vmem>>, vector<1x1x128xi32>,
    %slice3A_123 = vector.extract_strided_slice %convert_element_type3A_33 {offsets = [512], sizes = [128], strides = [1]} : vector<1024xi32> to vector<128xi32>
    %swap3A_124 = arith.constant 0 : index
    %swap3A_125 = arith.constant 4 : index
    %swap3A_126 = arith.constant 0 : index
    %swap3A_127 = vector.load %arg11[%swap3A_124, %swap3A_125, %swap3A_126] : memref<1x8x128xi32, #tpu.memory_space<vmem>>, vector<1x1x128xi32>
    %swap3A_128 = vector.shape_cast %swap3A_127 : vector<1x1x128xi32> to vector<128xi32>
    %swap3A_129 = vector.shape_cast %slice3A_123 : vector<128xi32> to vector<1x1x128xi32>
    tpu.vector_store %arg11[%swap3A_124, %swap3A_125, %swap3A_126], %swap3A_129 {strides = array<i32>} : memref<1x8x128xi32, #tpu.memory_space<vmem>>, vector<1x1x128xi32>,
    %slice3A_130 = vector.extract_strided_slice %convert_element_type3A_68 {offsets = [512], sizes = [128], strides = [1]} : vector<1024xi32> to vector<128xi32>
    %swap3A_131 = arith.constant 0 : index
    %swap3A_132 = arith.constant 4 : index
    %swap3A_133 = arith.constant 0 : index
    %swap3A_134 = vector.load %arg12[%swap3A_131, %swap3A_132, %swap3A_133] : memref<1x8x128xi32, #tpu.memory_space<vmem>>, vector<1x1x128xi32>
    %swap3A_135 = vector.shape_cast %swap3A_134 : vector<1x1x128xi32> to vector<128xi32>
    %swap3A_136 = vector.shape_cast %slice3A_130 : vector<128xi32> to vector<1x1x128xi32>
    tpu.vector_store %arg12[%swap3A_131, %swap3A_132, %swap3A_133], %swap3A_136 {strides = array<i32>} : memref<1x8x128xi32, #tpu.memory_space<vmem>>, vector<1x1x128xi32>,
    %slice3A_137 = vector.extract_strided_slice %convert_element_type3A_33 {offsets = [640], sizes = [128], strides = [1]} : vector<1024xi32> to vector<128xi32>
    %swap3A_138 = arith.constant 0 : index
    %swap3A_139 = arith.constant 5 : index
    %swap3A_140 = arith.constant 0 : index
    %swap3A_141 = vector.load %arg11[%swap3A_138, %swap3A_139, %swap3A_140] : memref<1x8x128xi32, #tpu.memory_space<vmem>>, vector<1x1x128xi32>
    %swap3A_142 = vector.shape_cast %swap3A_141 : vector<1x1x128xi32> to vector<128xi32>
    %swap3A_143 = vector.shape_cast %slice3A_137 : vector<128xi32> to vector<1x1x128xi32>
    tpu.vector_store %arg11[%swap3A_138, %swap3A_139, %swap3A_140], %swap3A_143 {strides = array<i32>} : memref<1x8x128xi32, #tpu.memory_space<vmem>>, vector<1x1x128xi32>,
    %slice3A_144 = vector.extract_strided_slice %convert_element_type3A_68 {offsets = [640], sizes = [128], strides = [1]} : vector<1024xi32> to vector<128xi32>
    %swap3A_145 = arith.constant 0 : index
    %swap3A_146 = arith.constant 5 : index
    %swap3A_147 = arith.constant 0 : index
    %swap3A_148 = vector.load %arg12[%swap3A_145, %swap3A_146, %swap3A_147] : memref<1x8x128xi32, #tpu.memory_space<vmem>>, vector<1x1x128xi32>
    %swap3A_149 = vector.shape_cast %swap3A_148 : vector<1x1x128xi32> to vector<128xi32>
    %swap3A_150 = vector.shape_cast %slice3A_144 : vector<128xi32> to vector<1x1x128xi32>
    tpu.vector_store %arg12[%swap3A_145, %swap3A_146, %swap3A_147], %swap3A_150 {strides = array<i32>} : memref<1x8x128xi32, #tpu.memory_space<vmem>>, vector<1x1x128xi32>,
    %slice3A_151 = vector.extract_strided_slice %convert_element_type3A_33 {offsets = [768], sizes = [128], strides = [1]} : vector<1024xi32> to vector<128xi32>
    %swap3A_152 = arith.constant 0 : index
    %swap3A_153 = arith.constant 6 : index
    %swap3A_154 = arith.constant 0 : index
    %swap3A_155 = vector.load %arg11[%swap3A_152, %swap3A_153, %swap3A_154] : memref<1x8x128xi32, #tpu.memory_space<vmem>>, vector<1x1x128xi32>
    %swap3A_156 = vector.shape_cast %swap3A_155 : vector<1x1x128xi32> to vector<128xi32>
    %swap3A_157 = vector.shape_cast %slice3A_151 : vector<128xi32> to vector<1x1x128xi32>
    tpu.vector_store %arg11[%swap3A_152, %swap3A_153, %swap3A_154], %swap3A_157 {strides = array<i32>} : memref<1x8x128xi32, #tpu.memory_space<vmem>>, vector<1x1x128xi32>,
    %slice3A_158 = vector.extract_strided_slice %convert_element_type3A_68 {offsets = [768], sizes = [128], strides = [1]} : vector<1024xi32> to vector<128xi32>
    %swap3A_159 = arith.constant 0 : index
    %swap3A_160 = arith.constant 6 : index
    %swap3A_161 = arith.constant 0 : index
    %swap3A_162 = vector.load %arg12[%swap3A_159, %swap3A_160, %swap3A_161] : memref<1x8x128xi32, #tpu.memory_space<vmem>>, vector<1x1x128xi32>
    %swap3A_163 = vector.shape_cast %swap3A_162 : vector<1x1x128xi32> to vector<128xi32>
    %swap3A_164 = vector.shape_cast %slice3A_158 : vector<128xi32> to vector<1x1x128xi32>
    tpu.vector_store %arg12[%swap3A_159, %swap3A_160, %swap3A_161], %swap3A_164 {strides = array<i32>} : memref<1x8x128xi32, #tpu.memory_space<vmem>>, vector<1x1x128xi32>,
    %slice3A_165 = vector.extract_strided_slice %convert_element_type3A_33 {offsets = [896], sizes = [128], strides = [1]} : vector<1024xi32> to vector<128xi32>
    %swap3A_166 = arith.constant 0 : index
    %swap3A_167 = arith.constant 7 : index
    %swap3A_168 = arith.constant 0 : index
    %swap3A_169 = vector.load %arg11[%swap3A_166, %swap3A_167, %swap3A_168] : memref<1x8x128xi32, #tpu.memory_space<vmem>>, vector<1x1x128xi32>
    %swap3A_170 = vector.shape_cast %swap3A_169 : vector<1x1x128xi32> to vector<128xi32>
    %swap3A_171 = vector.shape_cast %slice3A_165 : vector<128xi32> to vector<1x1x128xi32>
    tpu.vector_store %arg11[%swap3A_166, %swap3A_167, %swap3A_168], %swap3A_171 {strides = array<i32>} : memref<1x8x128xi32, #tpu.memory_space<vmem>>, vector<1x1x128xi32>,
    %slice3A_172 = vector.extract_strided_slice %convert_element_type3A_68 {offsets = [896], sizes = [128], strides = [1]} : vector<1024xi32> to vector<128xi32>
    %swap3A_173 = arith.constant 0 : index
    %swap3A_174 = arith.constant 7 : index
    %swap3A_175 = arith.constant 0 : index
    %swap3A_176 = vector.load %arg12[%swap3A_173, %swap3A_174, %swap3A_175] : memref<1x8x128xi32, #tpu.memory_space<vmem>>, vector<1x1x128xi32>
    %swap3A_177 = vector.shape_cast %swap3A_176 : vector<1x1x128xi32> to vector<128xi32>
    %swap3A_178 = vector.shape_cast %slice3A_172 : vector<128xi32> to vector<1x1x128xi32>
    tpu.vector_store %arg12[%swap3A_173, %swap3A_174, %swap3A_175], %swap3A_178 {strides = array<i32>} : memref<1x8x128xi32, #tpu.memory_space<vmem>>, vector<1x1x128xi32>,
    %mul3A_179 = arith.constant 1024 : i32
    %mul3A_180 = arith.muli %arg0, %mul3A_179 : i32
    %iota3A = tpu.iota {dimensions = array<i32: 0>} : vector<1024x1xi32>
    %add3A_181 = vector.broadcast %mul3A_180 : i32 to vector<1024x1xi32>
    %add3A_182 = arith.addi %add3A_181, %iota3A : vector<1024x1xi32>
    %lt3A = arith.constant 100000 : i32
    %lt3A_183 = vector.broadcast %lt3A : i32 to vector<1024x1xi32>
    %lt3A_184 = arith.cmpi slt, %add3A_182, %lt3A_183 : vector<1024x1xi32>
    %get3A_185 = arith.constant 0 : index
    %get3A_186 = arith.constant 0 : index
    %get3A_187 = vector.load %arg14[%get3A_185, %get3A_186] : memref<1x1xf32, #tpu.memory_space<vmem>>, vector<1x1xf32>
    %mul3A_188 = arith.constant 2.000000e+00 : f32
    %mul3A_189 = vector.broadcast %mul3A_188 : f32 to vector<1024x1xf32>
    %mul3A_190 = arith.mulf %mul3A_189, %broadcast_in_dim3A : vector<1024x1xf32>
    %sub3A_191 = arith.subf %broadcast_in_dim3A_35, %mul3A_190 : vector<1024x1xf32>
    %jit3A_192 = arith.constant 0.000000e+00 : f32
    %broadcast_in_dim3A_193 = vector.broadcast %jit3A_192 : f32 to vector<1024x1xf32>
    %select_n3A_194 = arith.select %lt3A_184, %sub3A_191, %broadcast_in_dim3A_193 : vector<1024x1xi1>, vector<1024x1xf32>
    %reduce_sum3A_195 = vector.shape_cast %select_n3A_194 : vector<1024x1xf32> to vector<1x1024x1xf32>
    %reduce_sum3A_196 = arith.constant dense<0.000000e+00> : vector<1xf32>
    %reduce_sum3A_197 = vector.multi_reduction <add>, %reduce_sum3A_195, %reduce_sum3A_196 [1, 2] : vector<1x1024x1xf32> to vector<1xf32>
    %reduce_sum3A_198 = vector.shape_cast %reduce_sum3A_197 : vector<1xf32> to vector<1x1x1xf32>
    %reduce_sum3A_199 = vector.extract %reduce_sum3A_198[0, 0, 0] : f32 from vector<1x1x1xf32>
    %add3A_200 = vector.broadcast %reduce_sum3A_199 : f32 to vector<1x1xf32>
    %add3A_201 = arith.addf %get3A_187, %add3A_200 : vector<1x1xf32>
    %swap3A_202 = arith.constant 0 : index
    %swap3A_203 = arith.constant 0 : index
    %swap3A_204 = vector.load %arg14[%swap3A_202, %swap3A_203] : memref<1x1xf32, #tpu.memory_space<vmem>>, vector<1x1xf32>
    tpu.vector_store %arg14[%swap3A_202, %swap3A_203], %add3A_201 {strides = array<i32>} : memref<1x1xf32, #tpu.memory_space<vmem>>, vector<1x1xf32>,
    return
  }
  func.func @transform_0(%arg0: i32) -> (i32, i32) {
    %c0_i32 = arith.constant 0 : i32
    %c0_i32_0 = arith.constant 0 : i32
    return %arg0, %c0_i32 : i32, i32
  }
  func.func @transform_1(%arg0: i32) -> (i32, i32) {
    %c0_i32 = arith.constant 0 : i32
    %c0_i32_0 = arith.constant 0 : i32
    return %arg0, %c0_i32 : i32, i32
  }
  func.func @transform_2(%arg0: i32) -> (i32, i32) {
    %c0_i32 = arith.constant 0 : i32
    %c0_i32_0 = arith.constant 0 : i32
    %c0_i32_1 = arith.constant 0 : i32
    return %c0_i32, %c0_i32_0 : i32, i32
  }
  func.func @transform_3(%arg0: i32) -> (i32, i32) {
    %c0_i32 = arith.constant 0 : i32
    %c0_i32_0 = arith.constant 0 : i32
    %c0_i32_1 = arith.constant 0 : i32
    return %c0_i32, %c0_i32_0 : i32, i32
  }
  func.func @transform_4(%arg0: i32) -> (i32, i32) {
    %c0_i32 = arith.constant 0 : i32
    %c0_i32_0 = arith.constant 0 : i32
    %c0_i32_1 = arith.constant 0 : i32
    return %c0_i32, %c0_i32_0 : i32, i32
  }
  func.func @transform_5(%arg0: i32) -> (i32, i32) {
    %c0_i32 = arith.constant 0 : i32
    %c0_i32_0 = arith.constant 0 : i32
    %c0_i32_1 = arith.constant 0 : i32
    return %c0_i32, %c0_i32_0 : i32, i32
  }
  func.func @transform_6(%arg0: i32) -> (i32, i32) {
    %c0_i32 = arith.constant 0 : i32
    %c0_i32_0 = arith.constant 0 : i32
    %c0_i32_1 = arith.constant 0 : i32
    return %c0_i32, %c0_i32_0 : i32, i32
  }
  func.func @transform_7(%arg0: i32) -> (i32, i32) {
    %c0_i32 = arith.constant 0 : i32
    %c0_i32_0 = arith.constant 0 : i32
    %c0_i32_1 = arith.constant 0 : i32
    return %c0_i32, %c0_i32_0 : i32, i32
  }
  func.func @transform_8(%arg0: i32) -> (i32, i32) {
    %c0_i32 = arith.constant 0 : i32
    %c0_i32_0 = arith.constant 0 : i32
    %c0_i32_1 = arith.constant 0 : i32
    return %c0_i32, %c0_i32_0 : i32, i32
  }
  func.func @transform_9(%arg0: i32) -> (i32, i32) {
    %c0_i32 = arith.constant 0 : i32
    %c0_i32_0 = arith.constant 0 : i32
    %c0_i32_1 = arith.constant 0 : i32
    return %c0_i32, %c0_i32_0 : i32, i32
  }
  func.func @transform_10(%arg0: i32) -> (i32, i32, i32) {
    %c0_i32 = arith.constant 0 : i32
    %c0_i32_0 = arith.constant 0 : i32
    %c0_i32_1 = arith.constant 0 : i32
    return %arg0, %c0_i32, %c0_i32_0 : i32, i32, i32
  }
  func.func @transform_11(%arg0: i32) -> (i32, i32, i32) {
    %c0_i32 = arith.constant 0 : i32
    %c0_i32_0 = arith.constant 0 : i32
    %c0_i32_1 = arith.constant 0 : i32
    return %arg0, %c0_i32, %c0_i32_0 : i32, i32, i32
  }
  func.func @transform_12(%arg0: i32) -> (i32, i32) {
    %c0_i32 = arith.constant 0 : i32
    %c0_i32_0 = arith.constant 0 : i32
    %c0_i32_1 = arith.constant 0 : i32
    return %c0_i32, %c0_i32_0 : i32, i32
  }
  func.func @transform_13(%arg0: i32) -> (i32, i32) {
    %c0_i32 = arith.constant 0 : i32
    %c0_i32_0 = arith.constant 0 : i32
    %c0_i32_1 = arith.constant 0 : i32
    return %c0_i32, %c0_i32_0 : i32, i32
  }
}

</mosaic_0001>

<sc_bundles>
// kernel: kernel.4.cloned.1.call-start
scs
__scs_entry_jumppad:
0x0: {  	(pc) =	sbr.rel $0x88, $3  }
0x1: {  	(tag) =	ssettag $0x0;
	lr =	simm.s32 $0x1  }
0x2: {  	[smem:$0x3F98] =	sst lr;
	_ =	strace $0xD0000000  }
0x3: {  	_ = 	snop  }
0x4: {  	_ = 	snop  }
0x5: {  	_ = 	snop  }
0x6: {  	_ = 	snop  }
0x7: {  	_ = 	snop  }
__scs_overlays_trampoline_lowered:
0x8: {  	[smem:$0x3FA7] =	sst s0  }
0x9: {  	[smem:$0x3FA8] =	sst s1  }
0xa: {  	[smem:$0x3FA9] =	sst s2  }
0xb: {  	[smem:$0x3FAA] =	sst s3  }
0xc: {  	[smem:$0x3FAB] =	sst s4  }
0xd: {  	[smem:$0x3FAC] =	sst s5  }
0xe: {  	[smem:$0x3FAD] =	sst s6  }
0xf: {  	[smem:$0x3FAE] =	sst s7  }
0x10: {  	[smem:$0x3FAF] =	sst s8  }
0x11: {  	[smem:$0x3FB0] =	sst s9;
	s0 =	simm.s32 @!p0 $0x0  }
0x12: {  	s1 =	sld [smem:$0x3F96];
	s0 =	simm.s32 @p0 $0x1  }
0x13: {  	[smem:$0x3FB1] =	sst s0;
	s0 =	simm.s32 @!p1 $0x0  }
0x14: {  	s2 =	sld [smem:$0x3F95];
	s0 =	simm.s32 @p1 $0x1  }
0x15: {  	[smem:$0x3FB2] =	sst s0;
	s0 =	simm.s32 @!p2 $0x0  }
0x16: {  	s3 =	sld [smem:$0x3FDB];
	s0 =	simm.s32 @p2 $0x1  }
0x17: {  	s4 =	simm.s32 $0x1BF5;
	[smem:$0x3FB4] =	sst s0  }
0x18: {  	s0 =	sld [smem:$0x3F97];
	_ =	swait.ge [sflag:s4], $0x0  }
0x19: {  	s7 =	sld [smem:$0x3F98]  }
0x1a: {  	s8 =	sadd.s32 $0xFFFFE003, lr  }
0x1b: {  	s9 =	sadd.s32 $0xFFFFFEF7, lr;
	s5 =	simm.s32 $0xFFFFFFFF;
	p2 =	slt.u32 s8, $0xFFFFF086  }
0x1c: {  	p1 =	slt.u32 s9, $0xF7A;
	s5 =	simm.s32 @!p2 $0x0  }
0x1d: {  	s5 =	simm.s32 @p1 $0x1;
	p0 =	seq.s32 s7, s2  }
0x1e: {  	s7 =	smul.u32 @!p0 $0xF7A, s2;
	p2 =	seq.s32 @!p0 s5, $0x0  }
0x1f: {  	s9 =	smul.u32 $0xF7A, s1;
	s8 =	simm.s32 @!p0 $0x1BF5;
	p2 =	por !p2, p0  }
0x20: {  	[sflag:s8] =	ssyncset.s32 @!p0 $0xFFFFF086;
	s6 =	sadd.s32 @!p0 s3, s7;
	s7 =	simm.s32 @!p0 $0x108  }
0x21: {  	s3 =	sadd.s32 s3, s9;
	s6 =	sadd.s32 @!p0 $0x88, s6;
	s7 =	simm.s32 @p2 $0x1082  }
0x22: {  	[simem:s7], [sflag:s8] =	dma.local @!p0 [hbm:s6], $0xF7A  }
0x23: {  	s9 =	sor.u32 $0xD0000000, s2;
	s6 =	simm.s32 $0x108;
	_ =	swait.ge @!p0 [sflag:s8], $0x0  }
0x24: {  	s3 =	sadd.s32 $0x88, s3;
	s6 =	simm.s32 @!p1 $0x1082;
	[sflag:s4] =	ssyncset.s32 $0xFFFFF086  }
0x25: {  	[simem:s6], [sflag:s4] =	dma.local [hbm:s3], $0xF7A  }
0x26: {  	[smem:$0x3F98] =	sst s1;
	(tag) =	ssettag s2;
	_ =	strace s9  }
0x27: {  	s1 =	sld [smem:$0x3FA8]  }
0x28: {  	s2 =	sld [smem:$0x3FA9]  }
0x29: {  	s4 =	sld [smem:$0x3FAB]  }
0x2a: {  	p0 =	seq.s32 s5, $0x0;
	s5 =	sld [smem:$0x3FAC]  }
0x2b: {  	s6 =	sld [smem:$0x3FAD]  }
0x2c: {  	s7 =	sld [smem:$0x3FAE]  }
0x2d: {  	s3 =	simm.s32 $0x108;
	s8 =	sld [smem:$0x3FAF]  }
0x2e: {  	s3 =	simm.s32 @!p0 $0x1082;
	s9 =	sld [smem:$0x3FB0]  }
0x2f: {  	lr =	sadd.s32 s0, s3;
	s0 =	sld [smem:$0x3FA7]  }
0x30: {  	s3 =	sld [smem:$0x3FAA]  }
0x31: {  	[smem:$0x3FB3] =	sst s10  }
0x32: {  	s10 =	sld [smem:$0x3FB1];
	_ =	sdelay $0x3  }
0x33: {  	p0 =	seq.s32 s10, $0x1;
	s10 =	sld [smem:$0x3FB3];
	_ =	sdelay $0x3  }
0x34: {  	[smem:$0x3FB3] =	sst s10  }
0x35: {  	s10 =	sld [smem:$0x3FB2];
	_ =	sdelay $0x3  }
0x36: {  	p1 =	seq.s32 s10, $0x1;
	s10 =	sld [smem:$0x3FB3];
	_ =	sdelay $0x3  }
0x37: {  	[smem:$0x3FB3] =	sst s10  }
0x38: {  	s10 =	sld [smem:$0x3FB4]  }
0x39: {  	_ = 	snop;
	(pc) =	sbr.ind lr, $3  }
0x3a: {  	_ = 	snop  }
0x3b: {  	_ = 	snop  }
0x3c: {  	p2 =	seq.s32 s10, $0x1;
	s10 =	sld [smem:$0x3FB3]  }
0x3d: {  	_ =	shalt  }
0x3e: {  	_ =	shalt  }
0x3f: {  	_ =	shalt  }
0x40: {  	_ =	shalt  }
0x41: {  	_ =	shalt  }
0x42: {  	_ =	shalt  }
0x43: {  	_ =	shalt  }
0x44: {  	_ =	shalt  }
0x45: {  	_ =	shalt  }
0x46: {  	_ =	shalt  }
0x47: {  	_ =	shalt  }
0x48: {  	_ =	shalt  }
0x49: {  	_ =	shalt  }
0x4a: {  	_ =	shalt  }
0x4b: {  	_ =	shalt  }
0x4c: {  	_ =	shalt  }
0x4d: {  	_ =	shalt  }
0x4e: {  	_ =	shalt  }
0x4f: {  	_ =	shalt  }
0x50: {  	_ =	shalt  }
0x51: {  	_ =	shalt  }
0x52: {  	_ =	shalt  }
0x53: {  	_ =	shalt  }
0x54: {  	_ =	shalt  }
0x55: {  	_ =	shalt  }
0x56: {  	_ =	shalt  }
0x57: {  	_ =	shalt  }
0x58: {  	_ =	shalt  }
0x59: {  	_ =	shalt  }
0x5a: {  	_ =	shalt  }
0x5b: {  	_ =	shalt  }
0x5c: {  	_ =	shalt  }
0x5d: {  	_ =	shalt  }
0x5e: {  	_ =	shalt  }
0x5f: {  	_ =	shalt  }
0x60: {  	_ =	shalt  }
0x61: {  	_ =	shalt  }
0x62: {  	_ =	shalt  }
0x63: {  	_ =	shalt  }
0x64: {  	_ =	shalt  }
0x65: {  	_ =	shalt  }
0x66: {  	_ =	shalt  }
0x67: {  	_ =	shalt  }
0x68: {  	_ =	shalt  }
0x69: {  	_ =	shalt  }
0x6a: {  	_ =	shalt  }
0x6b: {  	_ =	shalt  }
0x6c: {  	_ =	shalt  }
0x6d: {  	_ =	shalt  }
0x6e: {  	_ =	shalt  }
0x6f: {  	_ =	shalt  }
0x70: {  	_ =	shalt  }
0x71: {  	_ =	shalt  }
0x72: {  	_ =	shalt  }
0x73: {  	_ =	shalt  }
0x74: {  	_ =	shalt  }
0x75: {  	_ =	shalt  }
0x76: {  	_ =	shalt  }
0x77: {  	_ =	shalt  }
0x78: {  	_ =	shalt  }
0x79: {  	_ =	shalt  }
0x7a: {  	_ =	shalt  }
0x7b: {  	_ =	shalt  }
0x7c: {  	_ =	shalt  }
0x7d: {  	_ =	shalt  }
0x7e: {  	_ =	shalt  }
0x7f: {  	_ =	shalt  }
0x80: {  	_ =	shalt  }
0x81: {  	_ =	shalt  }
0x82: {  	_ =	shalt  }
0x83: {  	_ =	shalt  }
0x84: {  	_ =	shalt  }
0x85: {  	_ =	shalt  }
0x86: {  	_ =	shalt  }
0x87: {  	_ =	shalt  }
.Lfunc_end0:
.L_simem_size_0:
called_computation_lowered:
.L_overlay_start_0:
0x88: {  	s2 =	sld [smem:$0x3FD9]  }
0x89: {  	s3 =	sld [smem:$0x3FFE];
	_ =	sdelay $0x1  }
0x8a: {  	s1 =	srdreg.scid  }
0x8b: {  	s0 =	sand.u32 $0x1, s1  }
0x8c: {  	s14 =	sshll.u32 s0, $0xA;
	s2 =	sadd.s32 s3, s2  }
0x8d: {  	s2 =	sadd.s32 s2, s14  }
0x8e: {  	[smem:$0x3FBF] =	sst s2  }
0x8f: {  	_ = 	snop  }
0x90: {  	s2 =	sld [smem:$0x3FD0];
	_ =	sdelay $0x2  }
0x91: {  	s15 =	simm.s32 $0xA;
	s4 =	simm.s32 $0x10  }
0x92: {  	[smem:s4], [sflag:s15] =	dma.local [hbm:s2], $0x1  }
0x93: {  	_ =	swait.eq [sflag:s15], $0x1  }
0x94: {  	[sflag:s15] =	ssyncset.done $0x0  }
0x95: {  	s16 =	sld [smem:$0x10];
	[sflag:s15] =	ssyncadd.s32 $0xFFFFFFFF  }
0x96: {  	s17 =	sld [smem:$0x11];
	(tm) =	ssettm $0x1  }
0x97: {  	s18 =	sld [smem:$0x3FFB];
	_ =	sdelay $0x3  }
0x98: {  	_ =	strace s18  }
0x99: {  	s4 =	sld [smem:$0x3FFC];
	_ =	sdelay $0x3  }
0x9a: {  	_ =	strace s4  }
0x9b: {  	s4 =	sld [smem:$0x3FFD];
	_ =	sdelay $0x3  }
0x9c: {  	_ =	strace s4  }
0x9d: {  	_ =	strace $0x8FFFFFFF  }
0x9e: {  	s19 =	sld [smem:$0x3FDB];
	_ =	sdelay $0x1  }
0x9f: {  	s5 =	simm.s32 $_scs_section_size  }
0xa0: {  	s6 =	simm.s32 $_size__tile_overlayer_lowered;
	s7 =	simm.s32 $_tile_overlayer_lowered  }
0xa1: {  	s22 =	simm.s32 $0x1BFF;
	s21 =	sshll.u32 s7, $0x1;
	s4 =	sadd.s32 s5, s19  }
0xa2: {  	s8 =	simm.s32 $0x0;
	s20 =	sshll.u32 s6, $0x1;
	s6 =	sadd.s32 s21, s4  }
0xa3: {  	[timem:s8], [sflag:s22] =	dma.local [hbm:s6], s20  }
0xa4: {  	_ =	swait.ge [sflag:s22], s20  }
0xa5: {  	s5 =	ssub.s32 $0x0, s20;
	[sflag:s22] =	ssyncset.done $0x0  }
0xa6: {  	[sflag:s22] =	ssyncadd.s32 s5;
	_ =	sdelay $0x1  }
0xa7: {  	s23 =	simm.s32 $0x1B8B  }
0xa8: {  	_ =	swait.ge [sflag:s23], $0x1  }
0xa9: {  	[sflag:s23] =	ssyncset.done $0x0  }
0xaa: {  	s25 =	simm.s32 $0x1B8E;
	s24 =	sld [smem:$0x3FFE];
	[sflag:s23] =	ssyncadd.s32 $0xFFFFFFFF  }
0xab: {  	s26 =	simm.s32 $execute0_lowered;
	[smem:$0x3FD2] =	sst s25  }
0xac: {  	s6 =	sshll.u32 s26, $0x1;
	_ =	strace $0x80000046;
	[dreg:$0x1] =	wrdreg $0xFFFFFFFF  }
0xad: {  	s28 =	simm.s32 $_size_execute0_lowered;
	s4 =	sadd.s32 s4, s6;
	[dreg:$0x0] =	wrdreg $0x0  }
0xae: {  	s6 =	sshll.u32 s28, $0x1;
	[dreg:$0x2] =	wrdreg s4  }
0xaf: {  	[dreg:$0x3] =	wrdreg s6  }
0xb0: {  	[dreg:$0x4] =	wrdreg $0xC0  }
0xb1: {  	_ =	task [dreg:s8], $0x5FFFF  }
0xb2: {  	[dreg:$0x1] =	wrdreg $0xFFFFFFFF  }
0xb3: {  	[dreg:$0x0] =	wrdreg $0x60  }
0xb4: {  	[dreg:$0x2] =	wrdreg s24  }
0xb5: {  	[dreg:$0x3] =	wrdreg s16  }
0xb6: {  	[dreg:$0x4] =	wrdreg s17  }
0xb7: {  	[dreg:$0x5] =	wrdreg $0x18800  }
0xb8: {  	[dreg:$0x6] =	wrdreg $0x28800  }
0xb9: {  	[dreg:$0x7] =	wrdreg $0x9  }
0xba: {  	_ =	task.clear_ibuf [dreg:s8], $0x8FFFF;
	_ =	strace $0x90000046  }
0xbb: {  	s29 =	simm.s32 $0x9;
	_ =	strace $0x80000048  }
0xbc: {  	_ =	swait.ge [sflag:s29], $0x1  }
0xbd: {  	[sflag:s29] =	ssyncadd.s32 $0xFFFFFFFF  }
0xbe: {  	_ =	strace $0x90000048  }
0xbf: {  	_ =	sfence  }
0xc0: {  	s30 =	sld [smem:$0x0];
	_ =	sdelay $0x2  }
0xc1: {  	s31 =	sshll.u32 s1, $0xD;
	s1 =	sshrl.u32 s1, $0x2  }
0xc2: {  	s3 =	sand.u32 $0x4000, s31;
	s1 =	sadd.s32 s1, s30  }
0xc3: {  	s0 =	sor.u32 s3, s0;
	s1 =	sshll.u32 s1, $0x11  }
0xc4: {  	s0 =	sor.u32 s1, s0  }
0xc5: {  	s0 =	sadd.s32 $0x8F2B, s0  }
0xc6: {  	[sflag:s0] =	ssyncadd.remote.s32 $0x1  }
0xc7: {  	_ =	sfence.sel $0xFFFF  }
0xc8: {  	[dreg:$0x0] =	wrdreg $0xFFFFFFFF;
	(pc) =	sbr.abs _section_cstart, $3  }
0xc9: {  	[dreg:$0x1] =	wrdreg $0xFFFFFFFF  }
0xca: {  	_ =	task.clear_ibuf [dreg:s8], $0x2FFFF;
	_ =	strace $0x9FFFFFFF  }
0xcb: {  	(tm) =	ssettm $0x7FFFFFFF  }
tec
execute0_lowered:
.L_overlay_start_1:
0x0: {  	(tag) =	ssettag $0x1  }
0x1: {  	s1 =	rddreg [dreg:$0x0]  }
0x2: {  	s4 =	rddreg [dreg:$0x1]  }
0x3: {  	s5 =	rddreg [dreg:$0x2]  }
0x4: {  	s0 =	rddreg [dreg:$0x3];
	s3 =	srdreg.scid  }
0x5: {  	s6 =	stileid.u32;
	s2 =	rddreg [dreg:$0x4];
	s14 =	simm.s32 $0x9  }
0x6: {  	s18 =	simm.s32 $0x70;
	s30 =	simm.s32 $0x8C80;
	s19 =	simm.s32 $0x1  }
0x7: {  	s20 =	simm.s32 $0x5;
	s21 =	simm.s32 $0x2;
	s22 =	simm.s32 $0x6  }
0x8: {  	s23 =	simm.s32 $0x3;
	s28 =	simm.s32 $0x0;
	s11 =	sand.u32 $0x1, s3  }
0x9: {  	s7 =	sshll.u32 s6, $0x1;
	s3 =	simm.s32 $0x0;
	s12 =	smul.u32 $0x1880, s6  }
0xa: {  	s8 =	sadd.s32 $0x9E00, s1;
	s9 =	sadd.s32 $0x1A00, s1;
	s13 =	smul.u32 $0xC400, s6  }
0xb: {  	p0 =	sne.s32 s6, $0x0;
	s7 =	sor.u32 s11, s7;
	s26 =	smul.u32 $0xC40, s11  }
0xc: {  	[smem:$0x7FF] =	sst s3;
	s24 =	ssub.s32 $0x2, s11;
	s11 =	smul.u32 $0x6200, s11  }
0xd: {  	s16 =	sshrl.u32 @!p0 s0, $0x3;
	_ =	strace $0x80000047;
	[dreg:$0x6] =	wrdreg s8  }
0xe: {  	s17 =	sshrl.u32 @!p0 s2, $0x3;
	s7 =	smul.u32 $0xC40, s7;
	[dreg:$0x7] =	wrdreg s9  }
0xf: {  	s25 =	sshrl.u32 s24, $0x1;
	s8 =	sadd.s32 $0xC3200, s4;
	s9 =	sadd.s32 $0xC3200, s5  }
0x10: {  	s31 =	sadd.s32 s13, s5;
	s4 =	sadd.s32 s13, s4;
	s10 =	ssub.s32 s24, s25  }
0x11: {  	s13 =	sadd.s32 s11, s4;
	s24 =	simm.s32 $0x7;
	s7 =	sshrl.u32 s7, $0x3  }
.Ltmp0:
0x12: {  	s29 =	smax.u32 s10, $0x1;
	s1 =	sadd.s32 s7, s1;
	(pc) =	sbr.rel .LBB2_1-.Ltmp0, $4  }
0x13: {  	[dreg:$0xa] =	wrdreg s29;
	s7 =	sadd.s32 $0x6C00, s1;
	s1 =	sadd.s32 $0x3A00, s1  }
0x14: {  	s25 =	simm.s32 $0x4;
	[dreg:$0x9] =	wrdreg s1;
	s1 =	sadd.s32 s26, s12  }
0x15: {  	[dreg:$0x8] =	wrdreg s7;
	s12 =	sadd.s32 s11, s31;
	s1 =	sadd.s32 $0x150, s1  }
0x16: {  	s26 =	simm.s32 $0x8;
	[dreg:$0xb] =	wrdreg s1;
	s1 =	simm.s32 $0xFC80  }
.LBB2_4:
0x17: {  	s28 =	sadd.s32 $0x1, s28;
	s4 =	rddreg [dreg:$0xa]  }
0x18: {  	p1 =	sne.s32 s28, s4  }
.Ltmp1:
0x19: {  	_ = 	snop;
	(pc) =	sbr.rel @!p1 .LBB2_5-.Ltmp1, $1  }
0x1a: {  	_ =	sdelay $0x3  }
.LBB2_1:
0x1b: {  	s4 =	rddreg [dreg:$0x8]  }
0x1c: {  	[tilespmem:s3], [sflag:$0x9] =	stream.linear.gather [hbm4b:s4+s3], $0xC40, $0x38;
	[tilespmem:$0x11880] =	vst v63  }
0x1d: {  	_ =	swait.ge [sflag:s14], $0xC40  }
0x1e: {  	[sflag:s14] =	ssyncset.done $0x0  }
0x1f: {  	s7 =	simm.s32 $0xC40;
	s5 =	rddreg [dreg:$0x9];
	[sflag:s14] =	ssyncadd.s32 $0xFFFFF3C0  }
0x20: {  	[tilespmem:s7], [sflag:$0x9] =	stream.linear.gather [hbm4b:s5+s3], $0xC40, $0x38;
	[tilespmem:$0x11880] =	vst v63  }
0x21: {  	_ =	swait.ge [sflag:s14], $0xC40  }
0x22: {  	[sflag:s14] =	ssyncset.done $0x0  }
0x23: {  	s4 =	simm.s32 @!p0 $0x1C09;
	s5 =	rddreg [dreg:$0x6];
	[sflag:s14] =	ssyncadd.s32 $0xFFFFF3C0  }
0x24: {  	[spmem:s16], [sflag:s4] =	dma.local @!p0 [hbm:s5], $0x2000  }
0x25: {  	s5 =	simm.s32 @!p0 $0x9  }
0x26: {  	_ =	swait.ge @!p0 [sflag:s5], $0x2000  }
0x27: {  	[sflag:s5] =	ssyncset.done @!p0 $0x0  }
0x28: {  	s6 =	rddreg [dreg:$0x7];
	[sflag:s5] =	ssyncadd.s32 @!p0 $0xFFFFE000  }
0x29: {  	[spmem:s17], [sflag:s4] =	dma.local @!p0 [hbm:s6], $0x2000  }
0x2a: {  	_ =	swait.ge @!p0 [sflag:s5], $0x2000  }
0x2b: {  	[sflag:s5] =	ssyncset.done @!p0 $0x0  }
0x2c: {  	[sflag:s5] =	ssyncadd.s32 @!p0 $0xFFFFE000  }
0x2d: {  	s6 =	simm.s32 $0x3880;
	[bflag:$0x0] =	sbarrier.arrive $0xFFFF  }
0x2e: {  	[tilespmem:s6], [sflag:$0x1] =	stream.indirect.gather [spmem:s0], $0x40, s3, s18, $0xb8;
	[tilespmem:$0x11880] =	vst v63  }
0x2f: {  	s10 =	simm.s32 $0xA880  }
0x30: {  	[tilespmem:s10], [sflag:$0x5] =	stream.indirect.gather [spmem:s2], $0x40, s7, s18, $0xb8;
	[tilespmem:$0x11880] =	vst v63  }
0x31: {  	s11 =	simm.s32 $0x5480  }
0x32: {  	[tilespmem:s11], [sflag:$0x2] =	stream.indirect.gather [spmem:s0], $0x40, s18, s18, $0xb8;
	[tilespmem:$0x11880] =	vst v63  }
0x33: {  	s15 =	simm.s32 $0xCB0;
	s31 =	simm.s32 $0xC480  }
0x34: {  	[tilespmem:s31], [sflag:$0x6] =	stream.indirect.gather [spmem:s2], $0x40, s15, s18, $0xb8;
	[tilespmem:$0x11880] =	vst v63  }
0x35: {  	s6 =	simm.s32 $0xE0;
	s7 =	simm.s32 $0x7080  }
0x36: {  	[tilespmem:s7], [sflag:$0x3] =	stream.indirect.gather [spmem:s0], $0x40, s6, s18, $0xb8;
	[tilespmem:$0x11880] =	vst v63  }
0x37: {  	s10 =	simm.s32 $0xD20;
	s11 =	simm.s32 $0xE080  }
0x38: {  	[tilespmem:s11], [sflag:$0x7] =	stream.indirect.gather [spmem:s2], $0x40, s10, s18, $0xb8;
	[tilespmem:$0x11880] =	vst v63  }
0x39: {  	s29 =	simm.s32 $0x0;
	s15 =	simm.s32 $0x150  }
0x3a: {  	[tilespmem:s30], [sflag:$0x4] =	stream.indirect.gather [spmem:s0], $0x40, s15, s18, $0xb8;
	[tilespmem:$0x11880] =	vst v63  }
0x3b: {  	s4 =	simm.s32 $0x0;
	s31 =	simm.s32 $0xD90;
	s11 =	rddreg [dreg:$0xb]  }
0x3c: {  	[tilespmem:s1], [sflag:$0x8] =	stream.indirect.gather [spmem:s2], $0x40, s31, s18, $0xb8;
	[tilespmem:$0x11880] =	vst v63  }
.LBB2_2:
0x3d: {  	_ =	swait.ge [sflag:s19], $0x1C00  }
0x3e: {  	s5 =	sadd.s32 $0xFFFFFEB0, s11;
	[sflag:s19] =	ssyncset.done $0x0  }
0x3f: {  	p2 =	sgt.u32 s5, $0x18630;
	[sflag:s19] =	ssyncadd.s32 $0xFFFFE400  }
0x40: {  	p1 =	sgt.u32 @p2 s5, $0x1869F;
	_ =	swait.ge [sflag:s20], $0x1C00  }
0x41: {  	p1 =	por p1, !p2;
	[sflag:s20] =	ssyncset.done $0x0  }
0x42: {  	s5 =	simm.s32 @!p1 $0x0;
	s6 =	simm.s32 @!p1 $0x3880;
	[sflag:s20] =	ssyncadd.s32 $0xFFFFE400  }
0x43: {  	[hbm4b:s8+s5] =	stream.linear.scatter @!p1 [tilespmem:s6], [sflag:$0x9], $0x1800, $0x38;
	[tilespmem:$0x11880] =	vst v63  }
0x44: {  	s6 =	simm.s32 @!p1 $0x9  }
0x45: {  	_ =	swait.ge @!p1 [sflag:s6], $0x1800  }
0x46: {  	[sflag:s6] =	ssyncset.done @!p1 $0x0  }
0x47: {  	s7 =	simm.s32 @!p1 $0xA880;
	[sflag:s6] =	ssyncadd.s32 @!p1 $0xFFFFE800  }
0x48: {  	[hbm4b:s9+s5] =	stream.linear.scatter @!p1 [tilespmem:s7], [sflag:$0x9], $0x1800, $0x38;
	[tilespmem:$0x11880] =	vst v63  }
0x49: {  	_ =	swait.ge @!p1 [sflag:s6], $0x1800  }
0x4a: {  	s5 =	sadd.s32 @!p2 s4, s13;
	[sflag:s6] =	ssyncset.done @!p1 $0x0  }
0x4b: {  	s7 =	simm.s32 @!p2 $0x3880;
	[sflag:s6] =	ssyncadd.s32 @!p1 $0xFFFFE800;
	s6 =	simm.s32 @!p2 $0x0  }
0x4c: {  	[hbm4b:s5+s6] =	stream.linear.scatter @!p2 [tilespmem:s7], [sflag:$0x9], $0x1C00, $0x38;
	[tilespmem:$0x11880] =	vst v63  }
0x4d: {  	s5 =	simm.s32 @!p2 $0x9  }
0x4e: {  	_ =	swait.ge @!p2 [sflag:s5], $0x1C00  }
0x4f: {  	[sflag:s5] =	ssyncset.done @!p2 $0x0  }
0x50: {  	s10 =	simm.s32 @!p2 $0xA880;
	s7 =	sadd.s32 @!p2 s4, s12;
	[sflag:s5] =	ssyncadd.s32 @!p2 $0xFFFFE400  }
0x51: {  	[hbm4b:s7+s6] =	stream.linear.scatter @!p2 [tilespmem:s10], [sflag:$0x9], $0x1C00, $0x38;
	[tilespmem:$0x11880] =	vst v63  }
0x52: {  	_ =	swait.ge @!p2 [sflag:s5], $0x1C00  }
0x53: {  	p1 =	seq.s32 s4, $0x5400;
	[sflag:s5] =	ssyncset.done @!p2 $0x0  }
0x54: {  	[sflag:s5] =	ssyncadd.s32 @!p2 $0xFFFFE400;
	s5 =	sshra.s32 @!p1 s29, $0x2  }
0x55: {  	s6 =	simm.s32 @!p1 $0x70;
	s10 =	simm.s32 @!p1 $0x3880;
	s7 =	sadd.s32 @!p1 $0x1C0, s5  }
0x56: {  	[tilespmem:s10], [sflag:$0x1] =	stream.indirect.gather @!p1 [spmem:s0], $0x40, s7, s6, $0xb8;
	[tilespmem:$0x11880] =	vst v63  }
0x57: {  	s7 =	sadd.s32 @!p1 $0xE00, s5;
	s10 =	simm.s32 @!p1 $0xA880  }
0x58: {  	[tilespmem:s10], [sflag:$0x5] =	stream.indirect.gather @!p1 [spmem:s2], $0x40, s7, s6, $0xb8;
	[tilespmem:$0x11880] =	vst v63  }
0x59: {  	_ =	swait.ge [sflag:s21], $0x1C00  }
0x5a: {  	s7 =	sadd.s32 $0xFFFFFF20, s11;
	[sflag:s21] =	ssyncset.done $0x0  }
0x5b: {  	p2 =	sgt.u32 s7, $0x18630;
	[sflag:s21] =	ssyncadd.s32 $0xFFFFE400  }
0x5c: {  	p3 =	sgt.u32 @p2 s7, $0x1869F;
	_ =	swait.ge [sflag:s22], $0x1C00  }
0x5d: {  	p3 =	por p3, !p2;
	[sflag:s22] =	ssyncset.done $0x0  }
0x5e: {  	s7 =	simm.s32 @!p3 $0x0;
	s10 =	simm.s32 @!p3 $0x5480;
	[sflag:s22] =	ssyncadd.s32 $0xFFFFE400  }
0x5f: {  	[hbm4b:s8+s7] =	stream.linear.scatter @!p3 [tilespmem:s10], [sflag:$0x9], $0x1800, $0x38;
	[tilespmem:$0x11880] =	vst v63  }
0x60: {  	s10 =	simm.s32 @!p3 $0x9  }
0x61: {  	_ =	swait.ge @!p3 [sflag:s10], $0x1800  }
0x62: {  	[sflag:s10] =	ssyncset.done @!p3 $0x0  }
0x63: {  	s31 =	simm.s32 @!p3 $0xC480;
	[sflag:s10] =	ssyncadd.s32 @!p3 $0xFFFFE800  }
0x64: {  	[hbm4b:s9+s7] =	stream.linear.scatter @!p3 [tilespmem:s31], [sflag:$0x9], $0x1800, $0x38;
	[tilespmem:$0x11880] =	vst v63  }
0x65: {  	_ =	swait.ge @!p3 [sflag:s10], $0x1800  }
0x66: {  	s7 =	sadd.s32 @!p2 s4, s13;
	s31 =	simm.s32 @!p2 $0x5480;
	[sflag:s10] =	ssyncset.done @!p3 $0x0  }
0x67: {  	s7 =	sadd.s32 @!p2 $0x380, s7;
	[sflag:s10] =	ssyncadd.s32 @!p3 $0xFFFFE800;
	s10 =	simm.s32 @!p2 $0x0  }
0x68: {  	[hbm4b:s7+s10] =	stream.linear.scatter @!p2 [tilespmem:s31], [sflag:$0x9], $0x1C00, $0x38;
	[tilespmem:$0x11880] =	vst v63  }
0x69: {  	s7 =	simm.s32 @!p2 $0x9  }
0x6a: {  	_ =	swait.ge @!p2 [sflag:s7], $0x1C00  }
0x6b: {  	s31 =	sadd.s32 @!p2 s4, s12;
	[sflag:s7] =	ssyncset.done @!p2 $0x0  }
0x6c: {  	s15 =	simm.s32 @!p2 $0xC480;
	s31 =	sadd.s32 @!p2 $0x380, s31;
	[sflag:s7] =	ssyncadd.s32 @!p2 $0xFFFFE400  }
0x6d: {  	[hbm4b:s31+s10] =	stream.linear.scatter @!p2 [tilespmem:s15], [sflag:$0x9], $0x1C00, $0x38;
	[tilespmem:$0x11880] =	vst v63  }
0x6e: {  	_ =	swait.ge @!p2 [sflag:s7], $0x1C00  }
0x6f: {  	[sflag:s7] =	ssyncset.done @!p2 $0x0  }
0x70: {  	s10 =	simm.s32 @!p1 $0x5480;
	[sflag:s7] =	ssyncadd.s32 @!p2 $0xFFFFE400;
	s7 =	sadd.s32 @!p1 $0x230, s5  }
0x71: {  	[tilespmem:s10], [sflag:$0x2] =	stream.indirect.gather @!p1 [spmem:s0], $0x40, s7, s6, $0xb8;
	[tilespmem:$0x11880] =	vst v63  }
0x72: {  	s7 =	sadd.s32 @!p1 $0xE70, s5;
	s10 =	simm.s32 @!p1 $0xC480  }
0x73: {  	[tilespmem:s10], [sflag:$0x6] =	stream.indirect.gather @!p1 [spmem:s2], $0x40, s7, s6, $0xb8;
	[tilespmem:$0x11880] =	vst v63  }
0x74: {  	_ =	swait.ge [sflag:s23], $0x1C00  }
0x75: {  	s7 =	sadd.s32 $0xFFFFFF90, s11;
	[sflag:s23] =	ssyncset.done $0x0  }
0x76: {  	p2 =	sgt.u32 s7, $0x18630;
	[sflag:s23] =	ssyncadd.s32 $0xFFFFE400  }
0x77: {  	p3 =	sgt.u32 @p2 s7, $0x1869F;
	_ =	swait.ge [sflag:s24], $0x1C00  }
0x78: {  	p3 =	por p3, !p2;
	[sflag:s24] =	ssyncset.done $0x0  }
0x79: {  	s7 =	simm.s32 @!p3 $0x0;
	s10 =	simm.s32 @!p3 $0x7080;
	[sflag:s24] =	ssyncadd.s32 $0xFFFFE400  }
0x7a: {  	[hbm4b:s8+s7] =	stream.linear.scatter @!p3 [tilespmem:s10], [sflag:$0x9], $0x1800, $0x38;
	[tilespmem:$0x11880] =	vst v63  }
0x7b: {  	s10 =	simm.s32 @!p3 $0x9  }
0x7c: {  	_ =	swait.ge @!p3 [sflag:s10], $0x1800  }
0x7d: {  	[sflag:s10] =	ssyncset.done @!p3 $0x0  }
0x7e: {  	s15 =	simm.s32 @!p3 $0xE080;
	[sflag:s10] =	ssyncadd.s32 @!p3 $0xFFFFE800  }
0x7f: {  	[hbm4b:s9+s7] =	stream.linear.scatter @!p3 [tilespmem:s15], [sflag:$0x9], $0x1800, $0x38;
	[tilespmem:$0x11880] =	vst v63  }
0x80: {  	_ =	swait.ge @!p3 [sflag:s10], $0x1800  }
0x81: {  	s7 =	sadd.s32 @!p2 s4, s13;
	s15 =	simm.s32 @!p2 $0x7080;
	[sflag:s10] =	ssyncset.done @!p3 $0x0  }
0x82: {  	s7 =	sadd.s32 @!p2 $0x700, s7;
	[sflag:s10] =	ssyncadd.s32 @!p3 $0xFFFFE800;
	s10 =	simm.s32 @!p2 $0x0  }
0x83: {  	[hbm4b:s7+s10] =	stream.linear.scatter @!p2 [tilespmem:s15], [sflag:$0x9], $0x1C00, $0x38;
	[tilespmem:$0x11880] =	vst v63  }
0x84: {  	s7 =	simm.s32 @!p2 $0x9  }
0x85: {  	_ =	swait.ge @!p2 [sflag:s7], $0x1C00  }
0x86: {  	s15 =	sadd.s32 @!p2 s4, s12;
	[sflag:s7] =	ssyncset.done @!p2 $0x0  }
0x87: {  	s31 =	simm.s32 @!p2 $0xE080;
	s15 =	sadd.s32 @!p2 $0x700, s15;
	[sflag:s7] =	ssyncadd.s32 @!p2 $0xFFFFE400  }
0x88: {  	[hbm4b:s15+s10] =	stream.linear.scatter @!p2 [tilespmem:s31], [sflag:$0x9], $0x1C00, $0x38;
	[tilespmem:$0x11880] =	vst v63  }
0x89: {  	_ =	swait.ge @!p2 [sflag:s7], $0x1C00  }
0x8a: {  	[sflag:s7] =	ssyncset.done @!p2 $0x0  }
0x8b: {  	s10 =	simm.s32 @!p1 $0x7080;
	[sflag:s7] =	ssyncadd.s32 @!p2 $0xFFFFE400;
	s7 =	sadd.s32 @!p1 $0x2A0, s5  }
0x8c: {  	[tilespmem:s10], [sflag:$0x3] =	stream.indirect.gather @!p1 [spmem:s0], $0x40, s7, s6, $0xb8;
	[tilespmem:$0x11880] =	vst v63  }
0x8d: {  	s5 =	sadd.s32 @!p1 $0xEE0, s5;
	s7 =	simm.s32 @!p1 $0xE080  }
0x8e: {  	[tilespmem:s7], [sflag:$0x7] =	stream.indirect.gather @!p1 [spmem:s2], $0x40, s5, s6, $0xb8;
	[tilespmem:$0x11880] =	vst v63  }
0x8f: {  	_ =	swait.ge [sflag:s25], $0x1C00  }
0x90: {  	[sflag:s25] =	ssyncset.done $0x0  }
0x91: {  	p2 =	sgt.u32 s11, $0x18630;
	[sflag:s25] =	ssyncadd.s32 $0xFFFFE400  }
0x92: {  	p3 =	sgt.u32 @p2 s11, $0x1869F;
	_ =	swait.ge [sflag:s26], $0x1C00  }
0x93: {  	p3 =	por p3, !p2;
	[sflag:s26] =	ssyncset.done $0x0  }
0x94: {  	s5 =	simm.s32 @!p3 $0x0;
	s6 =	simm.s32 @!p3 $0x8C80;
	[sflag:s26] =	ssyncadd.s32 $0xFFFFE400  }
0x95: {  	[hbm4b:s8+s5] =	stream.linear.scatter @!p3 [tilespmem:s6], [sflag:$0x9], $0x1800, $0x38;
	[tilespmem:$0x11880] =	vst v63  }
0x96: {  	s6 =	simm.s32 @!p3 $0x9  }
0x97: {  	_ =	swait.ge @!p3 [sflag:s6], $0x1800  }
0x98: {  	[sflag:s6] =	ssyncset.done @!p3 $0x0  }
0x99: {  	s7 =	simm.s32 @!p3 $0xFC80;
	[sflag:s6] =	ssyncadd.s32 @!p3 $0xFFFFE800  }
0x9a: {  	[hbm4b:s9+s5] =	stream.linear.scatter @!p3 [tilespmem:s7], [sflag:$0x9], $0x1800, $0x38;
	[tilespmem:$0x11880] =	vst v63  }
0x9b: {  	_ =	swait.ge @!p3 [sflag:s6], $0x1800  }
0x9c: {  	s5 =	sadd.s32 @!p2 s4, s13;
	s7 =	simm.s32 @!p2 $0x8C80;
	[sflag:s6] =	ssyncset.done @!p3 $0x0  }
0x9d: {  	s5 =	sadd.s32 @!p2 $0xA80, s5;
	[sflag:s6] =	ssyncadd.s32 @!p3 $0xFFFFE800;
	s6 =	simm.s32 @!p2 $0x0  }
0x9e: {  	[hbm4b:s5+s6] =	stream.linear.scatter @!p2 [tilespmem:s7], [sflag:$0x9], $0x1C00, $0x38;
	[tilespmem:$0x11880] =	vst v63  }
0x9f: {  	s5 =	simm.s32 @!p2 $0x9  }
0xa0: {  	_ =	swait.ge @!p2 [sflag:s5], $0x1C00  }
0xa1: {  	s10 =	simm.s32 @!p2 $0xFC80;
	s7 =	sadd.s32 @!p2 s4, s12;
	[sflag:s5] =	ssyncset.done @!p2 $0x0  }
.Ltmp2:
0xa2: {  	s7 =	sadd.s32 @!p2 $0xA80, s7;
	[sflag:s5] =	ssyncadd.s32 @!p2 $0xFFFFE400;
	(pc) =	sbr.rel @p1 .LBB2_4-.Ltmp2, $4  }
0xa3: {  	[hbm4b:s7+s6] =	stream.linear.scatter @!p2 [tilespmem:s10], [sflag:$0x9], $0x1C00, $0x38;
	[tilespmem:$0x11880] =	vst v63  }
0xa4: {  	_ =	swait.ge @!p2 [sflag:s5], $0x1C00  }
0xa5: {  	[sflag:s5] =	ssyncset.done @!p2 $0x0  }
0xa6: {  	[sflag:s5] =	ssyncadd.s32 @!p2 $0xFFFFE400  }
.Ltmp3:
0xa7: {  	s5 =	sshra.s32 s29, $0x2;
	(pc) =	sbr.rel .LBB2_2-.Ltmp3, $4  }
0xa8: {  	s4 =	sadd.s32 $0xE00, s4;
	s6 =	sadd.s32 $0x310, s5  }
0xa9: {  	[tilespmem:s30], [sflag:$0x4] =	stream.indirect.gather [spmem:s0], $0x40, s6, s18, $0xb8;
	[tilespmem:$0x11880] =	vst v63  }
0xaa: {  	s11 =	sadd.s32 $0x1C0, s11;
	s29 =	sadd.s32 $0x700, s29;
	s5 =	sadd.s32 $0xF50, s5  }
0xab: {  	[tilespmem:s1], [sflag:$0x8] =	stream.indirect.gather [spmem:s2], $0x40, s5, s18, $0xb8;
	[tilespmem:$0x11880] =	vst v63  }
.LBB2_5:
0xac: {  	_ =	sfence.sel $0x180000  }
0xad: {  	[bflag:$0x0] =	sbarrier.arrive $0xFFFF  }
0xae: {  	_ =	strace $0x90000047  }
0xaf: {  	[bflag:$0x2] =	sbarrier.arrive $0xFFFF  }
0xb0: {  	s0 =	rddreg [dreg:$0x5]  }
0xb1: {  	s0 =	sadd.s32 @!p0 $0x100000, s0  }
0xb2: {  	[sflag:s0] =	ssyncadd.tile.s32 @!p0 $0x1;
	_ =	shalt  }
.Lfunc_end2:
_tile_overlayer_lowered:
.L_overlay_start_2:
0xb3: {  	(tag) =	ssettag $0x2  }
0xb4: {  	s0 =	rddreg [dreg:$0x0];
	s2 =	stileid.u32  }
0xb5: {  	s1 =	rddreg [dreg:$0x1];
	p0 =	sne.s32 s2, $0x0  }
0xb6: {  	s3 =	rddreg [dreg:$0x2];
	[bflag:$0x3] =	sbarrier.arrive $0xFFFF;
	s2 =	simm.s32 @!p0 $0x1C09  }
0xb7: {  	[timem:s3], [sflag:s2] =	dma.local @!p0 [hbm:s0], s1  }
0xb8: {  	s0 =	simm.s32 @!p0 $0x9  }
0xb9: {  	_ =	swait.ge @!p0 [sflag:s0], s1  }
0xba: {  	s1 =	ssub.s32 @!p0 $0x0, s1;
	[sflag:s0] =	ssyncset.done @!p0 $0x0  }
0xbb: {  	[sflag:s0] =	ssyncadd.s32 @!p0 s1  }
0xbc: {  	[bflag:$0x3] =	sbarrier.arrive $0xFFFF  }
0xbd: {  	_ =	shalt  }

</sc_bundles>
